<compile_context>
chip_gen: v7x
topology: tpu7x:2x2x1
jax: 0.10.2.dev20260603
libtpu: 0.0.44.dev20260713+nightly
codegen_flags: <defaults>
</compile_context>

<pallas_src>
import jax
import jax.numpy as jnp
from jax import lax
from jax.experimental import pallas as pl
from jax.experimental.pallas import tpu as pltpu
from jax.experimental.pallas import tpu_sc as plsc

N_NODES = 10000
HIDDEN = 64
HEADS = 4
OUT_PER_HEAD = 16
N_EDGES = 320000

NW = 32
BATCH = 128
PER_TILE = 10368
NB = PER_TILE // BATCH
EDGES_PAD = PER_TILE * NW
TSW = 80
TDW = 16
ACC_ROWS = 10112
ROWS_PER_TILE = ACC_ROWS // 16


def _dense_tables_kernel(x_ref, w_ref, m_src_ref, m_dst_ref, ts_ref, td_ref):
    h = jnp.dot(x_ref[...], w_ref[...], preferred_element_type=jnp.float32)
    ts_ref[...] = jnp.dot(h, m_src_ref[...], preferred_element_type=jnp.float32)
    td_ref[...] = jnp.dot(h, m_dst_ref[...], preferred_element_type=jnp.float32)


def _dense_tables(x, w, m_src, m_dst):
    n, k = x.shape
    blk = 2000
    return pl.pallas_call(
        _dense_tables_kernel,
        grid=(n // blk,),
        in_specs=[
            pl.BlockSpec((blk, k), lambda i: (i, 0)),
            pl.BlockSpec((k, HIDDEN), lambda i: (0, 0)),
            pl.BlockSpec((HIDDEN, TSW), lambda i: (0, 0)),
            pl.BlockSpec((HIDDEN, TDW), lambda i: (0, 0)),
        ],
        out_specs=[
            pl.BlockSpec((blk, TSW), lambda i: (i, 0)),
            pl.BlockSpec((blk, TDW), lambda i: (i, 0)),
        ],
        out_shape=[
            jax.ShapeDtypeStruct((n, TSW), jnp.float32),
            jax.ShapeDtypeStruct((n, TDW), jnp.float32),
        ],
    )(x, w, m_src, m_dst)


def _edge_pass_body(tsrc_hbm, tdst_hbm, src_hbm, dst_hbm, zeros_hbm, out_hbm,
                    acc, sidx, didx, srows, drows, sem1, sem2):
    c = lax.axis_index("c")
    s = lax.axis_index("s")
    w = c * 16 + s

    r0 = s * ROWS_PER_TILE
    pltpu.sync_copy(zeros_hbm.at[pl.ds(r0, ROWS_PER_TILE)],
                    acc.at[pl.ds(r0, ROWS_PER_TILE)])
    plsc.subcore_barrier()

    def batch_body(i, carry):
        base = w * PER_TILE + i * BATCH
        pltpu.sync_copy(src_hbm.at[pl.ds(base, BATCH)], sidx)
        pltpu.sync_copy(dst_hbm.at[pl.ds(base, BATCH)], didx)
        cp1 = pltpu.async_copy(tsrc_hbm.at[sidx], srows, sem1)
        cp2 = pltpu.async_copy(tdst_hbm.at[didx], drows, sem2)
        cp1.wait()
        cp2.wait()

        def scale_body(e, carry2):
            av = srows[e, pl.ds(HIDDEN - 8, 16)]
            dv = drows[e, pl.ds(0, 16)]
            t = av + dv
            t = jnp.maximum(t, 0.2 * t)
            e16 = jnp.exp(t)
            for hh in range(HEADS):
                sc = e16[8 + hh]
                v = srows[e, pl.ds(hh * OUT_PER_HEAD, 16)]
                srows[e, pl.ds(hh * OUT_PER_HEAD, 16)] = v * sc
            srows[e, pl.ds(HIDDEN, 16)] = e16
            return carry2

        lax.fori_loop(0, BATCH, scale_body, 0, unroll=2)

        pltpu.sync_copy(srows, acc.at[didx], add=True)
        return carry

    lax.fori_loop(0, NB, batch_body, 0)

    plsc.subcore_barrier()
    pltpu.sync_copy(acc.at[pl.ds(r0, ROWS_PER_TILE)],
                    out_hbm.at[c, pl.ds(r0, ROWS_PER_TILE)])


def _edge_pass(tsrc, tdst_pad, src_all, dst_all, zeros_acc):
    mesh = plsc.VectorSubcoreMesh(core_axis_name="c", subcore_axis_name="s")
    return pl.kernel(
        _edge_pass_body,
        out_type=jax.ShapeDtypeStruct((2, ACC_ROWS, TSW), jnp.float32),
        mesh=mesh,
        scratch_types=[
            pltpu.VMEM_SHARED((ACC_ROWS, TSW), jnp.float32),
            pltpu.VMEM((BATCH,), jnp.int32),
            pltpu.VMEM((BATCH,), jnp.int32),
            pltpu.VMEM((BATCH, TSW), jnp.float32),
            pltpu.VMEM((BATCH, TDW), jnp.float32),
            pltpu.SemaphoreType.DMA,
            pltpu.SemaphoreType.DMA,
        ],
        compiler_params=pltpu.CompilerParams(use_tc_tiling_on_sc=False),
    )(tsrc, tdst_pad, src_all, dst_all, zeros_acc)


def _finish(acc, bias, gamma, beta, e4):
    a = acc[0]
    b = acc[1]
    y = a[:N_NODES, :HIDDEN] + b[:N_NODES, :HIDDEN]
    den = a[:N_NODES, 72:76] + b[:N_NODES, 72:76]
    denb = jnp.dot(den, e4, preferred_element_type=jnp.float32)
    o = y / (denb + 1e-16) + bias
    mu = jnp.mean(o, axis=0, keepdims=True)
    var = jnp.mean((o - mu) * (o - mu), axis=0, keepdims=True)
    z = gamma * (o - mu) * lax.rsqrt(var + 1e-5) + beta
    return jnp.maximum(z, 0.0)


def _epilogue_dense_kernel(acc_ref, b_ref, g_ref, be_ref, e4_ref,
                           w2_ref, m_src_ref, m_dst_ref, ts_ref, td_ref):
    z = _finish(acc_ref[...], b_ref[...], g_ref[...], be_ref[...], e4_ref[...])
    h2 = jnp.dot(z, w2_ref[...], preferred_element_type=jnp.float32)
    ts_ref[...] = jnp.dot(h2, m_src_ref[...], preferred_element_type=jnp.float32)
    td_ref[...] = jnp.dot(h2, m_dst_ref[...], preferred_element_type=jnp.float32)


def _epilogue_final_kernel(acc_ref, b_ref, g_ref, be_ref, e4_ref, out_ref):
    out_ref[...] = _finish(acc_ref[...], b_ref[...], g_ref[...], be_ref[...],
                           e4_ref[...])


def _epilogue_dense(acc, bias, gamma, beta, e4, w2, m_src, m_dst):
    return pl.pallas_call(
        _epilogue_dense_kernel,
        out_shape=[
            jax.ShapeDtypeStruct((N_NODES, TSW), jnp.float32),
            jax.ShapeDtypeStruct((N_NODES, TDW), jnp.float32),
        ],
    )(acc, bias, gamma, beta, e4, w2, m_src, m_dst)


def _epilogue_final(acc, bias, gamma, beta, e4):
    return pl.pallas_call(
        _epilogue_final_kernel,
        out_shape=jax.ShapeDtypeStruct((N_NODES, HIDDEN), jnp.float32),
    )(acc, bias, gamma, beta, e4)


def _att_mat(att):
    rows = jnp.arange(HIDDEN)
    cols = jnp.repeat(jnp.arange(HEADS), OUT_PER_HEAD)
    return jnp.zeros((HIDDEN, HEADS), jnp.float32).at[rows, cols].set(
        att.reshape(HIDDEN))


def kernel(x, edge_index, W1, att_src1, att_dst1, b1, g1, be1,
           W2, att_src2, att_dst2, b2, g2, be2):
    n = x.shape[0]
    i32 = jnp.int32

    loop = jnp.arange(n, dtype=i32)
    pad = EDGES_PAD - (N_EDGES + n)
    src_all = jnp.concatenate([
        edge_index[0].astype(i32), loop, jnp.zeros((pad,), i32)])
    dst_all = jnp.concatenate([
        edge_index[1].astype(i32), loop, jnp.full((pad,), n, i32)])

    eye = jnp.eye(HIDDEN, dtype=jnp.float32)
    zpad12 = jnp.zeros((HIDDEN, 12), jnp.float32)
    zpad8 = jnp.zeros((HIDDEN, 8), jnp.float32)
    zpad4 = jnp.zeros((HIDDEN, 4), jnp.float32)
    m_src1 = jnp.concatenate([eye, _att_mat(att_src1), zpad12], axis=1)
    m_dst1 = jnp.concatenate([zpad8, _att_mat(att_dst1), zpad4], axis=1)
    m_src2 = jnp.concatenate([eye, _att_mat(att_src2), zpad12], axis=1)
    m_dst2 = jnp.concatenate([zpad8, _att_mat(att_dst2), zpad4], axis=1)
    e4 = jnp.repeat(jnp.eye(HEADS, dtype=jnp.float32), OUT_PER_HEAD, axis=1)
    zeros_acc = jnp.zeros((ACC_ROWS, TSW), jnp.float32)
    td_zpad = jnp.zeros((8, TDW), jnp.float32)

    b1r = b1.reshape(1, HIDDEN)
    g1r = g1.reshape(1, HIDDEN)
    be1r = be1.reshape(1, HIDDEN)
    b2r = b2.reshape(1, HIDDEN)
    g2r = g2.reshape(1, HIDDEN)
    be2r = be2.reshape(1, HIDDEN)

    ts1, td1 = _dense_tables(x, W1, m_src1, m_dst1)
    td1p = jnp.concatenate([td1, td_zpad], axis=0)
    acc1 = _edge_pass(ts1, td1p, src_all, dst_all, zeros_acc)
    ts2, td2 = _epilogue_dense(acc1, b1r, g1r, be1r, e4, W2, m_src2, m_dst2)

    td2p = jnp.concatenate([td2, td_zpad], axis=0)
    acc2 = _edge_pass(ts2, td2p, src_all, dst_all, zeros_acc)
    return _epilogue_final(acc2, b2r, g2r, be2r, e4)

# --- scband reference (transcript-rebuilt; emitter-appended) ---
"""Pipeline reference for scband-gatcommunity-detector-11261404250471 (READ-ONLY COPY).

The authoritative reference and input builder live on the scoring server;
editing this copy changes nothing except your own understanding.
"""

import jax, jax.numpy as jnp
import numpy as np

N_NODES = 10000
N_EDGES = 320000
IN_DIM = 128
HIDDEN = 64
HEADS = 4
OUT_PER_HEAD = HIDDEN // HEADS


def _glorot(key, shape):
    fan_in, fan_out = shape[0], shape[-1]
    lim = float(np.sqrt(6.0 / (fan_in + fan_out)))
    return jax.random.uniform(key, shape, jnp.float32, -lim, lim)


def setup_inputs(seed: int = 0) -> dict:
    key = jax.random.key(seed)
    ks = jax.random.split(key, 12)
    x = jax.random.normal(ks[0], (N_NODES, IN_DIM), jnp.float32)
    edge_index = jax.random.randint(ks[1], (2, N_EDGES), 0, N_NODES, jnp.int64)
    W1 = _glorot(ks[2], (IN_DIM, HEADS * OUT_PER_HEAD))
    att_src1 = _glorot(ks[3], (HEADS, OUT_PER_HEAD))
    att_dst1 = _glorot(ks[4], (HEADS, OUT_PER_HEAD))
    b1 = jnp.zeros((HIDDEN,), jnp.float32)
    g1 = jnp.ones((HIDDEN,), jnp.float32)
    be1 = jnp.zeros((HIDDEN,), jnp.float32)
    W2 = _glorot(ks[5], (HIDDEN, HEADS * OUT_PER_HEAD))
    att_src2 = _glorot(ks[6], (HEADS, OUT_PER_HEAD))
    att_dst2 = _glorot(ks[7], (HEADS, OUT_PER_HEAD))
    b2 = jnp.zeros((HIDDEN,), jnp.float32)
    g2 = jnp.ones((HIDDEN,), jnp.float32)
    be2 = jnp.zeros((HIDDEN,), jnp.float32)
    return {"x": x, "edge_index": edge_index,
            "W1": W1, "att_src1": att_src1, "att_dst1": att_dst1, "b1": b1, "g1": g1, "be1": be1,
            "W2": W2, "att_src2": att_src2, "att_dst2": att_dst2, "b2": b2, "g2": g2, "be2": be2}


def _gat_conv(x, src, dst, W, att_src, att_dst, b):
    N = x.shape[0]
    h = (x @ W).reshape(N, HEADS, OUT_PER_HEAD)
    a_src = jnp.sum(h * att_src[None, :, :], axis=-1)  # [N, H]
    a_dst = jnp.sum(h * att_dst[None, :, :], axis=-1)  # [N, H]
    alpha = a_src[src] + a_dst[dst]                    # [E, H]
    alpha = jax.nn.leaky_relu(alpha, negative_slope=0.2)
    amax = jax.ops.segment_max(alpha, dst, num_segments=N)
    amax = jnp.where(jnp.isfinite(amax), amax, 0.0)
    ex = jnp.exp(alpha - amax[dst])
    denom = jax.ops.segment_sum(ex, dst, num_segments=N)
    attn = ex / (denom[dst] + 1e-16)                   # [E, H]
    msg = h[src] * attn[:, :, None]                    # [E, H, D]
    out = jax.ops.segment_sum(msg, dst, num_segments=N)
    return out.reshape(N, HEADS * OUT_PER_HEAD) + b


def _batch_norm(x, gamma, beta, eps=1e-5):
    mu = jnp.mean(x, axis=0)
    var = jnp.var(x, axis=0)
    return gamma * (x - mu) / jnp.sqrt(var + eps) + beta


def reference(x, edge_index,
              W1, att_src1, att_dst1, b1, g1, be1,
              W2, att_src2, att_dst2, b2, g2, be2):
    N = x.shape[0]
    loop = jnp.arange(N, dtype=edge_index.dtype)
    src = jnp.concatenate([edge_index[0], loop])  # add self-loops (PyG GATConv default)
    dst = jnp.concatenate([edge_index[1], loop])
    h = _gat_conv(x, src, dst, W1, att_src1, att_dst1, b1)
    h = _batch_norm(h, g1, be1)
    h = jax.nn.relu(h)
    h = _gat_conv(h, src, dst, W2, att_src2, att_dst2, b2)
    h = _batch_norm(h, g2, be2)
    h = jax.nn.relu(h)
    return h

if __name__ == "__main__":
    import jax
    _d = setup_inputs()
    print(jax.jit(kernel)(*tuple(_d.values())))

</pallas_src>

<mosaic_0001>
#map = affine_map<(d0, d1) -> (0, 0)>
#map1 = affine_map<(d0, d1) -> (0)>
#map2 = affine_map<(d0, d1) -> (0, 0, 0)>
module attributes {stable_mosaic.version = 14 : i64} {
  func.func @_edge_pass_body(%arg0: i32, %arg1: i32, %arg2: memref<10000x80xf32, #tpu.memory_space<hbm>>, %arg3: memref<10008x16xf32, #tpu.memory_space<hbm>>, %arg4: memref<331776xi32, #tpu.memory_space<hbm>>, %arg5: memref<331776xi32, #tpu.memory_space<hbm>>, %arg6: memref<10112x80xf32, #tpu.memory_space<hbm>>, %arg7: memref<2x10112x80xf32, #tpu.memory_space<hbm>>, %arg8: memref<10112x80xf32, #tpu.memory_space<vmem_shared>>, %arg9: memref<128xi32, #tpu.memory_space<vmem>>, %arg10: memref<128xi32, #tpu.memory_space<vmem>>, %arg11: memref<128x80xf32, #tpu.memory_space<vmem>>, %arg12: memref<128x16xf32, #tpu.memory_space<vmem>>, %arg13: memref<!tpu.dma_semaphore, #tpu.memory_space<semaphore_mem>>, %arg14: memref<!tpu.dma_semaphore, #tpu.memory_space<semaphore_mem>>) attributes {dimension_semantics = [#tpu.dimension_semantics<core_parallel>, #tpu.dimension_semantics<subcore_parallel>], iteration_bounds = array<i64: 2, 16>, scalar_prefetch = 0 : i64, scratch_operands = 7 : i64, tpu.core_type = #tpu.core_type<sc_vector_subcore>, window_params = [{transform_indices = #map}, {transform_indices = #map}, {transform_indices = #map1}, {transform_indices = #map1}, {transform_indices = #map}, {transform_indices = #map2}]} {
    %mul3A = arith.constant 16 : i32
    %mul3A_0 = arith.muli %arg0, %mul3A : i32
    %add3A = arith.addi %mul3A_0, %arg1 : i32
    %mul3A_1 = arith.constant 632 : i32
    %mul3A_2 = arith.muli %arg1, %mul3A_1 : i32
    "tpu.region"() ({
      %run_scoped3A = tpu.sem_alloc : memref<!tpu.dma_semaphore, #tpu.memory_space<semaphore_mem>>
      %dma_start3A = arith.constant 0 : i32
      %dma_start3A_9 = tpu.memref_slice %arg8[%mul3A_2, %dma_start3A] : memref<10112x80xf32, #tpu.memory_space<vmem_shared>> -> memref<632x80xf32, #tpu.memory_space<vmem_shared>>
      %dma_start3A_10 = arith.constant 0 : i32
      %dma_start3A_11 = tpu.memref_slice %arg6[%mul3A_2, %dma_start3A_10] : memref<10112x80xf32, #tpu.memory_space<hbm>> -> memref<632x80xf32, #tpu.memory_space<hbm>>
      tpu.enqueue_dma source(%dma_start3A_11 : memref<632x80xf32, #tpu.memory_space<hbm>>) target(%dma_start3A_9 : memref<632x80xf32, #tpu.memory_space<vmem_shared>>) target_semaphore(%run_scoped3A : memref<!tpu.dma_semaphore, #tpu.memory_space<semaphore_mem>>)
      %dma_wait3A = arith.constant 0 : i32
      %dma_wait3A_12 = tpu.memref_slice %arg8[%mul3A_2, %dma_wait3A] : memref<10112x80xf32, #tpu.memory_space<vmem_shared>> -> memref<632x80xf32, #tpu.memory_space<vmem_shared>>
      %dma_wait3A_13 = arith.constant 0 : i32
      %dma_wait3A_14 = tpu.memref_slice %arg6[%mul3A_2, %dma_wait3A_13] : memref<10112x80xf32, #tpu.memory_space<hbm>> -> memref<632x80xf32, #tpu.memory_space<hbm>>
      tpu.wait_dma2 semaphore(%run_scoped3A : memref<!tpu.dma_semaphore, #tpu.memory_space<semaphore_mem>>) src(%dma_wait3A_14 : memref<632x80xf32, #tpu.memory_space<hbm>>) dst(%dma_wait3A_12 : memref<632x80xf32, #tpu.memory_space<vmem_shared>>)
      tpu.yield
    }) : () -> ()
    %barrier3A = arith.constant 0 : index
    tpu.barrier barrier_id(%barrier3A)
    %scan3A = arith.constant 0 : i32
    %scan3A_3 = arith.constant 0 : i32
    %scan3A_4 = arith.constant 81 : i32
    %scan3A_5 = arith.addi %scan3A_3, %scan3A_4 : i32
    %scan3A_6 = arith.constant 1 : i32
    scf.for %scan3A_9 = %scan3A_3 to %scan3A_5 step %scan3A_6  : i32 {
      %mul3A_10 = arith.constant 10368 : i32
      %mul3A_11 = arith.muli %add3A, %mul3A_10 : i32
      %mul3A_12 = arith.constant 128 : i32
      %mul3A_13 = arith.muli %scan3A_9, %mul3A_12 : i32
      %add3A_14 = arith.addi %mul3A_11, %mul3A_13 : i32
      "tpu.region"() ({
        %run_scoped3A = tpu.sem_alloc : memref<!tpu.dma_semaphore, #tpu.memory_space<semaphore_mem>>
        %dma_start3A_31 = tpu.memref_slice %arg4[%add3A_14] : memref<331776xi32, #tpu.memory_space<hbm>> -> memref<128xi32, #tpu.memory_space<hbm>>
        %dma_start3A_32 = tpu.memref_slice %arg4[%add3A_14] : memref<331776xi32, #tpu.memory_space<hbm>> -> memref<128xi32, #tpu.memory_space<hbm>>
        tpu.enqueue_dma source(%dma_start3A_32 : memref<128xi32, #tpu.memory_space<hbm>>) target(%arg9 : memref<128xi32, #tpu.memory_space<vmem>>) target_semaphore(%run_scoped3A : memref<!tpu.dma_semaphore, #tpu.memory_space<semaphore_mem>>)
        %dma_wait3A_33 = tpu.memref_slice %arg4[%add3A_14] : memref<331776xi32, #tpu.memory_space<hbm>> -> memref<128xi32, #tpu.memory_space<hbm>>
        %dma_wait3A_34 = tpu.memref_slice %arg4[%add3A_14] : memref<331776xi32, #tpu.memory_space<hbm>> -> memref<128xi32, #tpu.memory_space<hbm>>
        tpu.wait_dma2 semaphore(%run_scoped3A : memref<!tpu.dma_semaphore, #tpu.memory_space<semaphore_mem>>) src(%dma_wait3A_34 : memref<128xi32, #tpu.memory_space<hbm>>) dst(%arg9 : memref<128xi32, #tpu.memory_space<vmem>>)
        tpu.yield
      }) : () -> ()
      "tpu.region"() ({
        %run_scoped3A = tpu.sem_alloc : memref<!tpu.dma_semaphore, #tpu.memory_space<semaphore_mem>>
        %dma_start3A_31 = tpu.memref_slice %arg5[%add3A_14] : memref<331776xi32, #tpu.memory_space<hbm>> -> memref<128xi32, #tpu.memory_space<hbm>>
        %dma_start3A_32 = tpu.memref_slice %arg5[%add3A_14] : memref<331776xi32, #tpu.memory_space<hbm>> -> memref<128xi32, #tpu.memory_space<hbm>>
        tpu.enqueue_dma source(%dma_start3A_32 : memref<128xi32, #tpu.memory_space<hbm>>) target(%arg10 : memref<128xi32, #tpu.memory_space<vmem>>) target_semaphore(%run_scoped3A : memref<!tpu.dma_semaphore, #tpu.memory_space<semaphore_mem>>)
        %dma_wait3A_33 = tpu.memref_slice %arg5[%add3A_14] : memref<331776xi32, #tpu.memory_space<hbm>> -> memref<128xi32, #tpu.memory_space<hbm>>
        %dma_wait3A_34 = tpu.memref_slice %arg5[%add3A_14] : memref<331776xi32, #tpu.memory_space<hbm>> -> memref<128xi32, #tpu.memory_space<hbm>>
        tpu.wait_dma2 semaphore(%run_scoped3A : memref<!tpu.dma_semaphore, #tpu.memory_space<semaphore_mem>>) src(%dma_wait3A_34 : memref<128xi32, #tpu.memory_space<hbm>>) dst(%arg10 : memref<128xi32, #tpu.memory_space<vmem>>)
        tpu.yield
      }) : () -> ()
      %dma_start3A = arith.constant 0 : i32
      %dma_start3A_15 = arith.constant 0 : i32
      %dma_start3A_16 = tpu.memref_slice %arg2[%dma_start3A, %dma_start3A_15] : memref<10000x80xf32, #tpu.memory_space<hbm>> -> memref<10000x80xf32, #tpu.memory_space<hbm>>
      tpu.enqueue_indirect_dma source(%dma_start3A_16 : memref<10000x80xf32, #tpu.memory_space<hbm>>) target(%arg11 : memref<128x80xf32, #tpu.memory_space<vmem>>) offsets(%arg9 : memref<128xi32, #tpu.memory_space<vmem>>) semaphore(%arg13 : memref<!tpu.dma_semaphore, #tpu.memory_space<semaphore_mem>>)
      %dma_start3A_17 = arith.constant 0 : i32
      %dma_start3A_18 = arith.constant 0 : i32
      %dma_start3A_19 = tpu.memref_slice %arg3[%dma_start3A_17, %dma_start3A_18] : memref<10008x16xf32, #tpu.memory_space<hbm>> -> memref<10008x16xf32, #tpu.memory_space<hbm>>
      tpu.enqueue_indirect_dma source(%dma_start3A_19 : memref<10008x16xf32, #tpu.memory_space<hbm>>) target(%arg12 : memref<128x16xf32, #tpu.memory_space<vmem>>) offsets(%arg10 : memref<128xi32, #tpu.memory_space<vmem>>) semaphore(%arg14 : memref<!tpu.dma_semaphore, #tpu.memory_space<semaphore_mem>>)
      %dma_wait3A = arith.constant 0 : i32
      %dma_wait3A_20 = arith.constant 0 : i32
      %dma_wait3A_21 = tpu.memref_slice %arg2[%dma_wait3A, %dma_wait3A_20] : memref<10000x80xf32, #tpu.memory_space<hbm>> -> memref<10000x80xf32, #tpu.memory_space<hbm>>
      tpu.wait_indirect_dma semaphore(%arg13 : memref<!tpu.dma_semaphore, #tpu.memory_space<semaphore_mem>>) src(%dma_wait3A_21 : memref<10000x80xf32, #tpu.memory_space<hbm>>) dst(%arg11 : memref<128x80xf32, #tpu.memory_space<vmem>>)
      %dma_wait3A_22 = arith.constant 0 : i32
      %dma_wait3A_23 = arith.constant 0 : i32
      %dma_wait3A_24 = tpu.memref_slice %arg3[%dma_wait3A_22, %dma_wait3A_23] : memref<10008x16xf32, #tpu.memory_space<hbm>> -> memref<10008x16xf32, #tpu.memory_space<hbm>>
      tpu.wait_indirect_dma semaphore(%arg14 : memref<!tpu.dma_semaphore, #tpu.memory_space<semaphore_mem>>) src(%dma_wait3A_24 : memref<10008x16xf32, #tpu.memory_space<hbm>>) dst(%arg12 : memref<128x16xf32, #tpu.memory_space<vmem>>)
      %scan3A_25 = arith.constant 0 : i32
      %scan3A_26 = arith.constant 0 : i32
      %scan3A_27 = arith.constant 128 : i32
      %scan3A_28 = arith.addi %scan3A_26, %scan3A_27 : i32
      %scan3A_29 = arith.constant 2 : i32
      scf.for %scan3A_31 = %scan3A_26 to %scan3A_28 step %scan3A_29  : i32 {
        %get3A = arith.index_cast %scan3A_31 : i32 to index
        %get3A_32 = arith.constant 56 : index
        %get3A_33 = tpu.vector_load %arg11[%get3A, %get3A_32] {strides = array<i32>} : memref<128x80xf32, #tpu.memory_space<vmem>>, vector<1x16xf32>,
        %get3A_34 = vector.shape_cast %get3A_33 : vector<1x16xf32> to vector<16xf32>
        %get3A_35 = arith.index_cast %scan3A_31 : i32 to index
        %get3A_36 = arith.constant 0 : index
        %get3A_37 = tpu.vector_load %arg12[%get3A_35, %get3A_36] {strides = array<i32>} : memref<128x16xf32, #tpu.memory_space<vmem>>, vector<1x16xf32>,
        %get3A_38 = vector.shape_cast %get3A_37 : vector<1x16xf32> to vector<16xf32>
        %add3A_39 = arith.addf %get3A_34, %get3A_38 : vector<16xf32>
        %mul3A_40 = arith.constant 2.000000e-01 : f32
        %mul3A_41 = vector.broadcast %mul3A_40 : f32 to vector<16xf32>
        %mul3A_42 = arith.mulf %mul3A_41, %add3A_39 : vector<16xf32>
        %max3A = arith.maximumf %add3A_39, %mul3A_42 : vector<16xf32>
        %exp3A = math.exp %max3A : vector<16xf32>
        %slice3A = vector.extract_strided_slice %exp3A {offsets = [8], sizes = [1], strides = [1]} : vector<16xf32> to vector<1xf32>
        %squeeze3A = vector.extract %slice3A[0] : f32 from vector<1xf32>
        %get3A_43 = arith.index_cast %scan3A_31 : i32 to index
        %get3A_44 = arith.constant 0 : index
        %get3A_45 = tpu.vector_load %arg11[%get3A_43, %get3A_44] {strides = array<i32>} : memref<128x80xf32, #tpu.memory_space<vmem>>, vector<1x16xf32>,
        %get3A_46 = vector.shape_cast %get3A_45 : vector<1x16xf32> to vector<16xf32>
        %mul3A_47 = vector.broadcast %squeeze3A : f32 to vector<16xf32>
        %mul3A_48 = arith.mulf %get3A_46, %mul3A_47 : vector<16xf32>
        %swap3A = arith.index_cast %scan3A_31 : i32 to index
        %swap3A_49 = arith.constant 0 : index
        %swap3A_50 = tpu.vector_load %arg11[%swap3A, %swap3A_49] {strides = array<i32>} : memref<128x80xf32, #tpu.memory_space<vmem>>, vector<1x16xf32>,
        %swap3A_51 = vector.shape_cast %swap3A_50 : vector<1x16xf32> to vector<16xf32>
        %swap3A_52 = vector.shape_cast %mul3A_48 : vector<16xf32> to vector<1x16xf32>
        tpu.vector_store %arg11[%swap3A, %swap3A_49], %swap3A_52 {strides = array<i32>} : memref<128x80xf32, #tpu.memory_space<vmem>>, vector<1x16xf32>,
        %slice3A_53 = vector.extract_strided_slice %exp3A {offsets = [9], sizes = [1], strides = [1]} : vector<16xf32> to vector<1xf32>
        %squeeze3A_54 = vector.extract %slice3A_53[0] : f32 from vector<1xf32>
        %get3A_55 = arith.index_cast %scan3A_31 : i32 to index
        %get3A_56 = arith.constant 16 : index
        %get3A_57 = tpu.vector_load %arg11[%get3A_55, %get3A_56] {strides = array<i32>} : memref<128x80xf32, #tpu.memory_space<vmem>>, vector<1x16xf32>,
        %get3A_58 = vector.shape_cast %get3A_57 : vector<1x16xf32> to vector<16xf32>
        %mul3A_59 = vector.broadcast %squeeze3A_54 : f32 to vector<16xf32>
        %mul3A_60 = arith.mulf %get3A_58, %mul3A_59 : vector<16xf32>
        %swap3A_61 = arith.index_cast %scan3A_31 : i32 to index
        %swap3A_62 = arith.constant 16 : index
        %swap3A_63 = tpu.vector_load %arg11[%swap3A_61, %swap3A_62] {strides = array<i32>} : memref<128x80xf32, #tpu.memory_space<vmem>>, vector<1x16xf32>,
        %swap3A_64 = vector.shape_cast %swap3A_63 : vector<1x16xf32> to vector<16xf32>
        %swap3A_65 = vector.shape_cast %mul3A_60 : vector<16xf32> to vector<1x16xf32>
        tpu.vector_store %arg11[%swap3A_61, %swap3A_62], %swap3A_65 {strides = array<i32>} : memref<128x80xf32, #tpu.memory_space<vmem>>, vector<1x16xf32>,
        %slice3A_66 = vector.extract_strided_slice %exp3A {offsets = [10], sizes = [1], strides = [1]} : vector<16xf32> to vector<1xf32>
        %squeeze3A_67 = vector.extract %slice3A_66[0] : f32 from vector<1xf32>
        %get3A_68 = arith.index_cast %scan3A_31 : i32 to index
        %get3A_69 = arith.constant 32 : index
        %get3A_70 = tpu.vector_load %arg11[%get3A_68, %get3A_69] {strides = array<i32>} : memref<128x80xf32, #tpu.memory_space<vmem>>, vector<1x16xf32>,
        %get3A_71 = vector.shape_cast %get3A_70 : vector<1x16xf32> to vector<16xf32>
        %mul3A_72 = vector.broadcast %squeeze3A_67 : f32 to vector<16xf32>
        %mul3A_73 = arith.mulf %get3A_71, %mul3A_72 : vector<16xf32>
        %swap3A_74 = arith.index_cast %scan3A_31 : i32 to index
        %swap3A_75 = arith.constant 32 : index
        %swap3A_76 = tpu.vector_load %arg11[%swap3A_74, %swap3A_75] {strides = array<i32>} : memref<128x80xf32, #tpu.memory_space<vmem>>, vector<1x16xf32>,
        %swap3A_77 = vector.shape_cast %swap3A_76 : vector<1x16xf32> to vector<16xf32>
        %swap3A_78 = vector.shape_cast %mul3A_73 : vector<16xf32> to vector<1x16xf32>
        tpu.vector_store %arg11[%swap3A_74, %swap3A_75], %swap3A_78 {strides = array<i32>} : memref<128x80xf32, #tpu.memory_space<vmem>>, vector<1x16xf32>,
        %slice3A_79 = vector.extract_strided_slice %exp3A {offsets = [11], sizes = [1], strides = [1]} : vector<16xf32> to vector<1xf32>
        %squeeze3A_80 = vector.extract %slice3A_79[0] : f32 from vector<1xf32>
        %get3A_81 = arith.index_cast %scan3A_31 : i32 to index
        %get3A_82 = arith.constant 48 : index
        %get3A_83 = tpu.vector_load %arg11[%get3A_81, %get3A_82] {strides = array<i32>} : memref<128x80xf32, #tpu.memory_space<vmem>>, vector<1x16xf32>,
        %get3A_84 = vector.shape_cast %get3A_83 : vector<1x16xf32> to vector<16xf32>
        %mul3A_85 = vector.broadcast %squeeze3A_80 : f32 to vector<16xf32>
        %mul3A_86 = arith.mulf %get3A_84, %mul3A_85 : vector<16xf32>
        %swap3A_87 = arith.index_cast %scan3A_31 : i32 to index
        %swap3A_88 = arith.constant 48 : index
        %swap3A_89 = tpu.vector_load %arg11[%swap3A_87, %swap3A_88] {strides = array<i32>} : memref<128x80xf32, #tpu.memory_space<vmem>>, vector<1x16xf32>,
        %swap3A_90 = vector.shape_cast %swap3A_89 : vector<1x16xf32> to vector<16xf32>
        %swap3A_91 = vector.shape_cast %mul3A_86 : vector<16xf32> to vector<1x16xf32>
        tpu.vector_store %arg11[%swap3A_87, %swap3A_88], %swap3A_91 {strides = array<i32>} : memref<128x80xf32, #tpu.memory_space<vmem>>, vector<1x16xf32>,
        %swap3A_92 = arith.index_cast %scan3A_31 : i32 to index
        %swap3A_93 = arith.constant 64 : index
        %swap3A_94 = tpu.vector_load %arg11[%swap3A_92, %swap3A_93] {strides = array<i32>} : memref<128x80xf32, #tpu.memory_space<vmem>>, vector<1x16xf32>,
        %swap3A_95 = vector.shape_cast %swap3A_94 : vector<1x16xf32> to vector<16xf32>
        %swap3A_96 = vector.shape_cast %exp3A : vector<16xf32> to vector<1x16xf32>
        tpu.vector_store %arg11[%swap3A_92, %swap3A_93], %swap3A_96 {strides = array<i32>} : memref<128x80xf32, #tpu.memory_space<vmem>>, vector<1x16xf32>,
        %scan3A_97 = arith.constant 1 : i32
        %scan3A_98 = arith.addi %scan3A_31, %scan3A_97 : i32
        %get3A_99 = arith.index_cast %scan3A_98 : i32 to index
        %get3A_100 = arith.constant 56 : index
        %get3A_101 = tpu.vector_load %arg11[%get3A_99, %get3A_100] {strides = array<i32>} : memref<128x80xf32, #tpu.memory_space<vmem>>, vector<1x16xf32>,
        %get3A_102 = vector.shape_cast %get3A_101 : vector<1x16xf32> to vector<16xf32>
        %get3A_103 = arith.index_cast %scan3A_98 : i32 to index
        %get3A_104 = arith.constant 0 : index
        %get3A_105 = tpu.vector_load %arg12[%get3A_103, %get3A_104] {strides = array<i32>} : memref<128x16xf32, #tpu.memory_space<vmem>>, vector<1x16xf32>,
        %get3A_106 = vector.shape_cast %get3A_105 : vector<1x16xf32> to vector<16xf32>
        %add3A_107 = arith.addf %get3A_102, %get3A_106 : vector<16xf32>
        %mul3A_108 = arith.constant 2.000000e-01 : f32
        %mul3A_109 = vector.broadcast %mul3A_108 : f32 to vector<16xf32>
        %mul3A_110 = arith.mulf %mul3A_109, %add3A_107 : vector<16xf32>
        %max3A_111 = arith.maximumf %add3A_107, %mul3A_110 : vector<16xf32>
        %exp3A_112 = math.exp %max3A_111 : vector<16xf32>
        %slice3A_113 = vector.extract_strided_slice %exp3A_112 {offsets = [8], sizes = [1], strides = [1]} : vector<16xf32> to vector<1xf32>
        %squeeze3A_114 = vector.extract %slice3A_113[0] : f32 from vector<1xf32>
        %get3A_115 = arith.index_cast %scan3A_98 : i32 to index
        %get3A_116 = arith.constant 0 : index
        %get3A_117 = tpu.vector_load %arg11[%get3A_115, %get3A_116] {strides = array<i32>} : memref<128x80xf32, #tpu.memory_space<vmem>>, vector<1x16xf32>,
        %get3A_118 = vector.shape_cast %get3A_117 : vector<1x16xf32> to vector<16xf32>
        %mul3A_119 = vector.broadcast %squeeze3A_114 : f32 to vector<16xf32>
        %mul3A_120 = arith.mulf %get3A_118, %mul3A_119 : vector<16xf32>
        %swap3A_121 = arith.index_cast %scan3A_98 : i32 to index
        %swap3A_122 = arith.constant 0 : index
        %swap3A_123 = tpu.vector_load %arg11[%swap3A_121, %swap3A_122] {strides = array<i32>} : memref<128x80xf32, #tpu.memory_space<vmem>>, vector<1x16xf32>,
        %swap3A_124 = vector.shape_cast %swap3A_123 : vector<1x16xf32> to vector<16xf32>
        %swap3A_125 = vector.shape_cast %mul3A_120 : vector<16xf32> to vector<1x16xf32>
        tpu.vector_store %arg11[%swap3A_121, %swap3A_122], %swap3A_125 {strides = array<i32>} : memref<128x80xf32, #tpu.memory_space<vmem>>, vector<1x16xf32>,
        %slice3A_126 = vector.extract_strided_slice %exp3A_112 {offsets = [9], sizes = [1], strides = [1]} : vector<16xf32> to vector<1xf32>
        %squeeze3A_127 = vector.extract %slice3A_126[0] : f32 from vector<1xf32>
        %get3A_128 = arith.index_cast %scan3A_98 : i32 to index
        %get3A_129 = arith.constant 16 : index
        %get3A_130 = tpu.vector_load %arg11[%get3A_128, %get3A_129] {strides = array<i32>} : memref<128x80xf32, #tpu.memory_space<vmem>>, vector<1x16xf32>,
        %get3A_131 = vector.shape_cast %get3A_130 : vector<1x16xf32> to vector<16xf32>
        %mul3A_132 = vector.broadcast %squeeze3A_127 : f32 to vector<16xf32>
        %mul3A_133 = arith.mulf %get3A_131, %mul3A_132 : vector<16xf32>
        %swap3A_134 = arith.index_cast %scan3A_98 : i32 to index
        %swap3A_135 = arith.constant 16 : index
        %swap3A_136 = tpu.vector_load %arg11[%swap3A_134, %swap3A_135] {strides = array<i32>} : memref<128x80xf32, #tpu.memory_space<vmem>>, vector<1x16xf32>,
        %swap3A_137 = vector.shape_cast %swap3A_136 : vector<1x16xf32> to vector<16xf32>
        %swap3A_138 = vector.shape_cast %mul3A_133 : vector<16xf32> to vector<1x16xf32>
        tpu.vector_store %arg11[%swap3A_134, %swap3A_135], %swap3A_138 {strides = array<i32>} : memref<128x80xf32, #tpu.memory_space<vmem>>, vector<1x16xf32>,
        %slice3A_139 = vector.extract_strided_slice %exp3A_112 {offsets = [10], sizes = [1], strides = [1]} : vector<16xf32> to vector<1xf32>
        %squeeze3A_140 = vector.extract %slice3A_139[0] : f32 from vector<1xf32>
        %get3A_141 = arith.index_cast %scan3A_98 : i32 to index
        %get3A_142 = arith.constant 32 : index
        %get3A_143 = tpu.vector_load %arg11[%get3A_141, %get3A_142] {strides = array<i32>} : memref<128x80xf32, #tpu.memory_space<vmem>>, vector<1x16xf32>,
        %get3A_144 = vector.shape_cast %get3A_143 : vector<1x16xf32> to vector<16xf32>
        %mul3A_145 = vector.broadcast %squeeze3A_140 : f32 to vector<16xf32>
        %mul3A_146 = arith.mulf %get3A_144, %mul3A_145 : vector<16xf32>
        %swap3A_147 = arith.index_cast %scan3A_98 : i32 to index
        %swap3A_148 = arith.constant 32 : index
        %swap3A_149 = tpu.vector_load %arg11[%swap3A_147, %swap3A_148] {strides = array<i32>} : memref<128x80xf32, #tpu.memory_space<vmem>>, vector<1x16xf32>,
        %swap3A_150 = vector.shape_cast %swap3A_149 : vector<1x16xf32> to vector<16xf32>
        %swap3A_151 = vector.shape_cast %mul3A_146 : vector<16xf32> to vector<1x16xf32>
        tpu.vector_store %arg11[%swap3A_147, %swap3A_148], %swap3A_151 {strides = array<i32>} : memref<128x80xf32, #tpu.memory_space<vmem>>, vector<1x16xf32>,
        %slice3A_152 = vector.extract_strided_slice %exp3A_112 {offsets = [11], sizes = [1], strides = [1]} : vector<16xf32> to vector<1xf32>
        %squeeze3A_153 = vector.extract %slice3A_152[0] : f32 from vector<1xf32>
        %get3A_154 = arith.index_cast %scan3A_98 : i32 to index
        %get3A_155 = arith.constant 48 : index
        %get3A_156 = tpu.vector_load %arg11[%get3A_154, %get3A_155] {strides = array<i32>} : memref<128x80xf32, #tpu.memory_space<vmem>>, vector<1x16xf32>,
        %get3A_157 = vector.shape_cast %get3A_156 : vector<1x16xf32> to vector<16xf32>
        %mul3A_158 = vector.broadcast %squeeze3A_153 : f32 to vector<16xf32>
        %mul3A_159 = arith.mulf %get3A_157, %mul3A_158 : vector<16xf32>
        %swap3A_160 = arith.index_cast %scan3A_98 : i32 to index
        %swap3A_161 = arith.constant 48 : index
        %swap3A_162 = tpu.vector_load %arg11[%swap3A_160, %swap3A_161] {strides = array<i32>} : memref<128x80xf32, #tpu.memory_space<vmem>>, vector<1x16xf32>,
        %swap3A_163 = vector.shape_cast %swap3A_162 : vector<1x16xf32> to vector<16xf32>
        %swap3A_164 = vector.shape_cast %mul3A_159 : vector<16xf32> to vector<1x16xf32>
        tpu.vector_store %arg11[%swap3A_160, %swap3A_161], %swap3A_164 {strides = array<i32>} : memref<128x80xf32, #tpu.memory_space<vmem>>, vector<1x16xf32>,
        %swap3A_165 = arith.index_cast %scan3A_98 : i32 to index
        %swap3A_166 = arith.constant 64 : index
        %swap3A_167 = tpu.vector_load %arg11[%swap3A_165, %swap3A_166] {strides = array<i32>} : memref<128x80xf32, #tpu.memory_space<vmem>>, vector<1x16xf32>,
        %swap3A_168 = vector.shape_cast %swap3A_167 : vector<1x16xf32> to vector<16xf32>
        %swap3A_169 = vector.shape_cast %exp3A_112 : vector<16xf32> to vector<1x16xf32>
        tpu.vector_store %arg11[%swap3A_165, %swap3A_166], %swap3A_169 {strides = array<i32>} : memref<128x80xf32, #tpu.memory_space<vmem>>, vector<1x16xf32>,
      }
      %scan3A_30 = arith.constant 128 : i32
      "tpu.region"() ({
        %run_scoped3A = tpu.sem_alloc : memref<!tpu.dma_semaphore, #tpu.memory_space<semaphore_mem>>
        %dma_start3A_31 = arith.constant 0 : i32
        %dma_start3A_32 = arith.constant 0 : i32
        %dma_start3A_33 = tpu.memref_slice %arg8[%dma_start3A_31, %dma_start3A_32] : memref<10112x80xf32, #tpu.memory_space<vmem_shared>> -> memref<10112x80xf32, #tpu.memory_space<vmem_shared>>
        tpu.enqueue_indirect_dma source(%arg11 : memref<128x80xf32, #tpu.memory_space<vmem>>) target(%dma_start3A_33 : memref<10112x80xf32, #tpu.memory_space<vmem_shared>>) offsets(%arg10 : memref<128xi32, #tpu.memory_space<vmem>>) semaphore(%run_scoped3A : memref<!tpu.dma_semaphore, #tpu.memory_space<semaphore_mem>>) {add = true}
        %dma_wait3A_34 = arith.constant 0 : i32
        %dma_wait3A_35 = arith.constant 0 : i32
        %dma_wait3A_36 = tpu.memref_slice %arg8[%dma_wait3A_34, %dma_wait3A_35] : memref<10112x80xf32, #tpu.memory_space<vmem_shared>> -> memref<10112x80xf32, #tpu.memory_space<vmem_shared>>
        tpu.wait_indirect_dma semaphore(%run_scoped3A : memref<!tpu.dma_semaphore, #tpu.memory_space<semaphore_mem>>) src(%arg11 : memref<128x80xf32, #tpu.memory_space<vmem>>) dst(%dma_wait3A_36 : memref<10112x80xf32, #tpu.memory_space<vmem_shared>>)
        tpu.yield
      }) : () -> ()
    }
    %scan3A_7 = arith.constant 81 : i32
    %barrier3A_8 = arith.constant 0 : index
    tpu.barrier barrier_id(%barrier3A_8)
    "tpu.region"() ({
      %run_scoped3A = tpu.sem_alloc : memref<!tpu.dma_semaphore, #tpu.memory_space<semaphore_mem>>
      %dma_start3A = arith.constant 0 : i32
      %dma_start3A_9 = tpu.memref_slice %arg7[%arg0, %mul3A_2, %dma_start3A] : memref<2x10112x80xf32, #tpu.memory_space<hbm>> -> memref<1x632x80xf32, #tpu.memory_space<hbm>>
      %dma_start3A_10 = tpu.memref_squeeze %dma_start3A_9 : memref<1x632x80xf32, #tpu.memory_space<hbm>> -> memref<632x80xf32, #tpu.memory_space<hbm>>
      %dma_start3A_11 = arith.constant 0 : i32
      %dma_start3A_12 = tpu.memref_slice %arg8[%mul3A_2, %dma_start3A_11] : memref<10112x80xf32, #tpu.memory_space<vmem_shared>> -> memref<632x80xf32, #tpu.memory_space<vmem_shared>>
      tpu.enqueue_dma source(%dma_start3A_12 : memref<632x80xf32, #tpu.memory_space<vmem_shared>>) target(%dma_start3A_10 : memref<632x80xf32, #tpu.memory_space<hbm>>) target_semaphore(%run_scoped3A : memref<!tpu.dma_semaphore, #tpu.memory_space<semaphore_mem>>)
      %dma_wait3A = arith.constant 0 : i32
      %dma_wait3A_13 = tpu.memref_slice %arg7[%arg0, %mul3A_2, %dma_wait3A] : memref<2x10112x80xf32, #tpu.memory_space<hbm>> -> memref<1x632x80xf32, #tpu.memory_space<hbm>>
      %dma_wait3A_14 = tpu.memref_squeeze %dma_wait3A_13 : memref<1x632x80xf32, #tpu.memory_space<hbm>> -> memref<632x80xf32, #tpu.memory_space<hbm>>
      %dma_wait3A_15 = arith.constant 0 : i32
      %dma_wait3A_16 = tpu.memref_slice %arg8[%mul3A_2, %dma_wait3A_15] : memref<10112x80xf32, #tpu.memory_space<vmem_shared>> -> memref<632x80xf32, #tpu.memory_space<vmem_shared>>
      tpu.wait_dma2 semaphore(%run_scoped3A : memref<!tpu.dma_semaphore, #tpu.memory_space<semaphore_mem>>) src(%dma_wait3A_16 : memref<632x80xf32, #tpu.memory_space<vmem_shared>>) dst(%dma_wait3A_14 : memref<632x80xf32, #tpu.memory_space<hbm>>)
      tpu.yield
    }) : () -> ()
    return
  }
}

#map = affine_map<(d0, d1) -> (0, 0)>
#map1 = affine_map<(d0, d1) -> (0)>
#map2 = affine_map<(d0, d1) -> (0, 0, 0)>
module attributes {stable_mosaic.version = 14 : i64} {
  func.func @_edge_pass_body(%arg0: i32, %arg1: i32, %arg2: memref<10000x80xf32, #tpu.memory_space<hbm>>, %arg3: memref<10008x16xf32, #tpu.memory_space<hbm>>, %arg4: memref<331776xi32, #tpu.memory_space<hbm>>, %arg5: memref<331776xi32, #tpu.memory_space<hbm>>, %arg6: memref<10112x80xf32, #tpu.memory_space<hbm>>, %arg7: memref<2x10112x80xf32, #tpu.memory_space<hbm>>, %arg8: memref<10112x80xf32, #tpu.memory_space<vmem_shared>>, %arg9: memref<128xi32, #tpu.memory_space<vmem>>, %arg10: memref<128xi32, #tpu.memory_space<vmem>>, %arg11: memref<128x80xf32, #tpu.memory_space<vmem>>, %arg12: memref<128x16xf32, #tpu.memory_space<vmem>>, %arg13: memref<!tpu.dma_semaphore, #tpu.memory_space<semaphore_mem>>, %arg14: memref<!tpu.dma_semaphore, #tpu.memory_space<semaphore_mem>>) attributes {dimension_semantics = [#tpu.dimension_semantics<core_parallel>, #tpu.dimension_semantics<subcore_parallel>], iteration_bounds = array<i64: 2, 16>, scalar_prefetch = 0 : i64, scratch_operands = 7 : i64, tpu.core_type = #tpu.core_type<sc_vector_subcore>, window_params = [{transform_indices = #map}, {transform_indices = #map}, {transform_indices = #map1}, {transform_indices = #map1}, {transform_indices = #map}, {transform_indices = #map2}]} {
    %mul3A = arith.constant 16 : i32
    %mul3A_0 = arith.muli %arg0, %mul3A : i32
    %add3A = arith.addi %mul3A_0, %arg1 : i32
    %mul3A_1 = arith.constant 632 : i32
    %mul3A_2 = arith.muli %arg1, %mul3A_1 : i32
    "tpu.region"() ({
      %run_scoped3A = tpu.sem_alloc : memref<!tpu.dma_semaphore, #tpu.memory_space<semaphore_mem>>
      %dma_start3A = arith.constant 0 : i32
      %dma_start3A_9 = tpu.memref_slice %arg8[%mul3A_2, %dma_start3A] : memref<10112x80xf32, #tpu.memory_space<vmem_shared>> -> memref<632x80xf32, #tpu.memory_space<vmem_shared>>
      %dma_start3A_10 = arith.constant 0 : i32
      %dma_start3A_11 = tpu.memref_slice %arg6[%mul3A_2, %dma_start3A_10] : memref<10112x80xf32, #tpu.memory_space<hbm>> -> memref<632x80xf32, #tpu.memory_space<hbm>>
      tpu.enqueue_dma source(%dma_start3A_11 : memref<632x80xf32, #tpu.memory_space<hbm>>) target(%dma_start3A_9 : memref<632x80xf32, #tpu.memory_space<vmem_shared>>) target_semaphore(%run_scoped3A : memref<!tpu.dma_semaphore, #tpu.memory_space<semaphore_mem>>)
      %dma_wait3A = arith.constant 0 : i32
      %dma_wait3A_12 = tpu.memref_slice %arg8[%mul3A_2, %dma_wait3A] : memref<10112x80xf32, #tpu.memory_space<vmem_shared>> -> memref<632x80xf32, #tpu.memory_space<vmem_shared>>
      %dma_wait3A_13 = arith.constant 0 : i32
      %dma_wait3A_14 = tpu.memref_slice %arg6[%mul3A_2, %dma_wait3A_13] : memref<10112x80xf32, #tpu.memory_space<hbm>> -> memref<632x80xf32, #tpu.memory_space<hbm>>
      tpu.wait_dma2 semaphore(%run_scoped3A : memref<!tpu.dma_semaphore, #tpu.memory_space<semaphore_mem>>) src(%dma_wait3A_14 : memref<632x80xf32, #tpu.memory_space<hbm>>) dst(%dma_wait3A_12 : memref<632x80xf32, #tpu.memory_space<vmem_shared>>)
      tpu.yield
    }) : () -> ()
    %barrier3A = arith.constant 0 : index
    tpu.barrier barrier_id(%barrier3A)
    %scan3A = arith.constant 0 : i32
    %scan3A_3 = arith.constant 0 : i32
    %scan3A_4 = arith.constant 81 : i32
    %scan3A_5 = arith.addi %scan3A_3, %scan3A_4 : i32
    %scan3A_6 = arith.constant 1 : i32
    scf.for %scan3A_9 = %scan3A_3 to %scan3A_5 step %scan3A_6  : i32 {
      %mul3A_10 = arith.constant 10368 : i32
      %mul3A_11 = arith.muli %add3A, %mul3A_10 : i32
      %mul3A_12 = arith.constant 128 : i32
      %mul3A_13 = arith.muli %scan3A_9, %mul3A_12 : i32
      %add3A_14 = arith.addi %mul3A_11, %mul3A_13 : i32
      "tpu.region"() ({
        %run_scoped3A = tpu.sem_alloc : memref<!tpu.dma_semaphore, #tpu.memory_space<semaphore_mem>>
        %dma_start3A_31 = tpu.memref_slice %arg4[%add3A_14] : memref<331776xi32, #tpu.memory_space<hbm>> -> memref<128xi32, #tpu.memory_space<hbm>>
        %dma_start3A_32 = tpu.memref_slice %arg4[%add3A_14] : memref<331776xi32, #tpu.memory_space<hbm>> -> memref<128xi32, #tpu.memory_space<hbm>>
        tpu.enqueue_dma source(%dma_start3A_32 : memref<128xi32, #tpu.memory_space<hbm>>) target(%arg9 : memref<128xi32, #tpu.memory_space<vmem>>) target_semaphore(%run_scoped3A : memref<!tpu.dma_semaphore, #tpu.memory_space<semaphore_mem>>)
        %dma_wait3A_33 = tpu.memref_slice %arg4[%add3A_14] : memref<331776xi32, #tpu.memory_space<hbm>> -> memref<128xi32, #tpu.memory_space<hbm>>
        %dma_wait3A_34 = tpu.memref_slice %arg4[%add3A_14] : memref<331776xi32, #tpu.memory_space<hbm>> -> memref<128xi32, #tpu.memory_space<hbm>>
        tpu.wait_dma2 semaphore(%run_scoped3A : memref<!tpu.dma_semaphore, #tpu.memory_space<semaphore_mem>>) src(%dma_wait3A_34 : memref<128xi32, #tpu.memory_space<hbm>>) dst(%arg9 : memref<128xi32, #tpu.memory_space<vmem>>)
        tpu.yield
      }) : () -> ()
      "tpu.region"() ({
        %run_scoped3A = tpu.sem_alloc : memref<!tpu.dma_semaphore, #tpu.memory_space<semaphore_mem>>
        %dma_start3A_31 = tpu.memref_slice %arg5[%add3A_14] : memref<331776xi32, #tpu.memory_space<hbm>> -> memref<128xi32, #tpu.memory_space<hbm>>
        %dma_start3A_32 = tpu.memref_slice %arg5[%add3A_14] : memref<331776xi32, #tpu.memory_space<hbm>> -> memref<128xi32, #tpu.memory_space<hbm>>
        tpu.enqueue_dma source(%dma_start3A_32 : memref<128xi32, #tpu.memory_space<hbm>>) target(%arg10 : memref<128xi32, #tpu.memory_space<vmem>>) target_semaphore(%run_scoped3A : memref<!tpu.dma_semaphore, #tpu.memory_space<semaphore_mem>>)
        %dma_wait3A_33 = tpu.memref_slice %arg5[%add3A_14] : memref<331776xi32, #tpu.memory_space<hbm>> -> memref<128xi32, #tpu.memory_space<hbm>>
        %dma_wait3A_34 = tpu.memref_slice %arg5[%add3A_14] : memref<331776xi32, #tpu.memory_space<hbm>> -> memref<128xi32, #tpu.memory_space<hbm>>
        tpu.wait_dma2 semaphore(%run_scoped3A : memref<!tpu.dma_semaphore, #tpu.memory_space<semaphore_mem>>) src(%dma_wait3A_34 : memref<128xi32, #tpu.memory_space<hbm>>) dst(%arg10 : memref<128xi32, #tpu.memory_space<vmem>>)
        tpu.yield
      }) : () -> ()
      %dma_start3A = arith.constant 0 : i32
      %dma_start3A_15 = arith.constant 0 : i32
      %dma_start3A_16 = tpu.memref_slice %arg2[%dma_start3A, %dma_start3A_15] : memref<10000x80xf32, #tpu.memory_space<hbm>> -> memref<10000x80xf32, #tpu.memory_space<hbm>>
      tpu.enqueue_indirect_dma source(%dma_start3A_16 : memref<10000x80xf32, #tpu.memory_space<hbm>>) target(%arg11 : memref<128x80xf32, #tpu.memory_space<vmem>>) offsets(%arg9 : memref<128xi32, #tpu.memory_space<vmem>>) semaphore(%arg13 : memref<!tpu.dma_semaphore, #tpu.memory_space<semaphore_mem>>)
      %dma_start3A_17 = arith.constant 0 : i32
      %dma_start3A_18 = arith.constant 0 : i32
      %dma_start3A_19 = tpu.memref_slice %arg3[%dma_start3A_17, %dma_start3A_18] : memref<10008x16xf32, #tpu.memory_space<hbm>> -> memref<10008x16xf32, #tpu.memory_space<hbm>>
      tpu.enqueue_indirect_dma source(%dma_start3A_19 : memref<10008x16xf32, #tpu.memory_space<hbm>>) target(%arg12 : memref<128x16xf32, #tpu.memory_space<vmem>>) offsets(%arg10 : memref<128xi32, #tpu.memory_space<vmem>>) semaphore(%arg14 : memref<!tpu.dma_semaphore, #tpu.memory_space<semaphore_mem>>)
      %dma_wait3A = arith.constant 0 : i32
      %dma_wait3A_20 = arith.constant 0 : i32
      %dma_wait3A_21 = tpu.memref_slice %arg2[%dma_wait3A, %dma_wait3A_20] : memref<10000x80xf32, #tpu.memory_space<hbm>> -> memref<10000x80xf32, #tpu.memory_space<hbm>>
      tpu.wait_indirect_dma semaphore(%arg13 : memref<!tpu.dma_semaphore, #tpu.memory_space<semaphore_mem>>) src(%dma_wait3A_21 : memref<10000x80xf32, #tpu.memory_space<hbm>>) dst(%arg11 : memref<128x80xf32, #tpu.memory_space<vmem>>)
      %dma_wait3A_22 = arith.constant 0 : i32
      %dma_wait3A_23 = arith.constant 0 : i32
      %dma_wait3A_24 = tpu.memref_slice %arg3[%dma_wait3A_22, %dma_wait3A_23] : memref<10008x16xf32, #tpu.memory_space<hbm>> -> memref<10008x16xf32, #tpu.memory_space<hbm>>
      tpu.wait_indirect_dma semaphore(%arg14 : memref<!tpu.dma_semaphore, #tpu.memory_space<semaphore_mem>>) src(%dma_wait3A_24 : memref<10008x16xf32, #tpu.memory_space<hbm>>) dst(%arg12 : memref<128x16xf32, #tpu.memory_space<vmem>>)
      %scan3A_25 = arith.constant 0 : i32
      %scan3A_26 = arith.constant 0 : i32
      %scan3A_27 = arith.constant 128 : i32
      %scan3A_28 = arith.addi %scan3A_26, %scan3A_27 : i32
      %scan3A_29 = arith.constant 2 : i32
      scf.for %scan3A_31 = %scan3A_26 to %scan3A_28 step %scan3A_29  : i32 {
        %get3A = arith.index_cast %scan3A_31 : i32 to index
        %get3A_32 = arith.constant 56 : index
        %get3A_33 = tpu.vector_load %arg11[%get3A, %get3A_32] {strides = array<i32>} : memref<128x80xf32, #tpu.memory_space<vmem>>, vector<1x16xf32>,
        %get3A_34 = vector.shape_cast %get3A_33 : vector<1x16xf32> to vector<16xf32>
        %get3A_35 = arith.index_cast %scan3A_31 : i32 to index
        %get3A_36 = arith.constant 0 : index
        %get3A_37 = tpu.vector_load %arg12[%get3A_35, %get3A_36] {strides = array<i32>} : memref<128x16xf32, #tpu.memory_space<vmem>>, vector<1x16xf32>,
        %get3A_38 = vector.shape_cast %get3A_37 : vector<1x16xf32> to vector<16xf32>
        %add3A_39 = arith.addf %get3A_34, %get3A_38 : vector<16xf32>
        %mul3A_40 = arith.constant 2.000000e-01 : f32
        %mul3A_41 = vector.broadcast %mul3A_40 : f32 to vector<16xf32>
        %mul3A_42 = arith.mulf %mul3A_41, %add3A_39 : vector<16xf32>
        %max3A = arith.maximumf %add3A_39, %mul3A_42 : vector<16xf32>
        %exp3A = math.exp %max3A : vector<16xf32>
        %slice3A = vector.extract_strided_slice %exp3A {offsets = [8], sizes = [1], strides = [1]} : vector<16xf32> to vector<1xf32>
        %squeeze3A = vector.extract %slice3A[0] : f32 from vector<1xf32>
        %get3A_43 = arith.index_cast %scan3A_31 : i32 to index
        %get3A_44 = arith.constant 0 : index
        %get3A_45 = tpu.vector_load %arg11[%get3A_43, %get3A_44] {strides = array<i32>} : memref<128x80xf32, #tpu.memory_space<vmem>>, vector<1x16xf32>,
        %get3A_46 = vector.shape_cast %get3A_45 : vector<1x16xf32> to vector<16xf32>
        %mul3A_47 = vector.broadcast %squeeze3A : f32 to vector<16xf32>
        %mul3A_48 = arith.mulf %get3A_46, %mul3A_47 : vector<16xf32>
        %swap3A = arith.index_cast %scan3A_31 : i32 to index
        %swap3A_49 = arith.constant 0 : index
        %swap3A_50 = tpu.vector_load %arg11[%swap3A, %swap3A_49] {strides = array<i32>} : memref<128x80xf32, #tpu.memory_space<vmem>>, vector<1x16xf32>,
        %swap3A_51 = vector.shape_cast %swap3A_50 : vector<1x16xf32> to vector<16xf32>
        %swap3A_52 = vector.shape_cast %mul3A_48 : vector<16xf32> to vector<1x16xf32>
        tpu.vector_store %arg11[%swap3A, %swap3A_49], %swap3A_52 {strides = array<i32>} : memref<128x80xf32, #tpu.memory_space<vmem>>, vector<1x16xf32>,
        %slice3A_53 = vector.extract_strided_slice %exp3A {offsets = [9], sizes = [1], strides = [1]} : vector<16xf32> to vector<1xf32>
        %squeeze3A_54 = vector.extract %slice3A_53[0] : f32 from vector<1xf32>
        %get3A_55 = arith.index_cast %scan3A_31 : i32 to index
        %get3A_56 = arith.constant 16 : index
        %get3A_57 = tpu.vector_load %arg11[%get3A_55, %get3A_56] {strides = array<i32>} : memref<128x80xf32, #tpu.memory_space<vmem>>, vector<1x16xf32>,
        %get3A_58 = vector.shape_cast %get3A_57 : vector<1x16xf32> to vector<16xf32>
        %mul3A_59 = vector.broadcast %squeeze3A_54 : f32 to vector<16xf32>
        %mul3A_60 = arith.mulf %get3A_58, %mul3A_59 : vector<16xf32>
        %swap3A_61 = arith.index_cast %scan3A_31 : i32 to index
        %swap3A_62 = arith.constant 16 : index
        %swap3A_63 = tpu.vector_load %arg11[%swap3A_61, %swap3A_62] {strides = array<i32>} : memref<128x80xf32, #tpu.memory_space<vmem>>, vector<1x16xf32>,
        %swap3A_64 = vector.shape_cast %swap3A_63 : vector<1x16xf32> to vector<16xf32>
        %swap3A_65 = vector.shape_cast %mul3A_60 : vector<16xf32> to vector<1x16xf32>
        tpu.vector_store %arg11[%swap3A_61, %swap3A_62], %swap3A_65 {strides = array<i32>} : memref<128x80xf32, #tpu.memory_space<vmem>>, vector<1x16xf32>,
        %slice3A_66 = vector.extract_strided_slice %exp3A {offsets = [10], sizes = [1], strides = [1]} : vector<16xf32> to vector<1xf32>
        %squeeze3A_67 = vector.extract %slice3A_66[0] : f32 from vector<1xf32>
        %get3A_68 = arith.index_cast %scan3A_31 : i32 to index
        %get3A_69 = arith.constant 32 : index
        %get3A_70 = tpu.vector_load %arg11[%get3A_68, %get3A_69] {strides = array<i32>} : memref<128x80xf32, #tpu.memory_space<vmem>>, vector<1x16xf32>,
        %get3A_71 = vector.shape_cast %get3A_70 : vector<1x16xf32> to vector<16xf32>
        %mul3A_72 = vector.broadcast %squeeze3A_67 : f32 to vector<16xf32>
        %mul3A_73 = arith.mulf %get3A_71, %mul3A_72 : vector<16xf32>
        %swap3A_74 = arith.index_cast %scan3A_31 : i32 to index
        %swap3A_75 = arith.constant 32 : index
        %swap3A_76 = tpu.vector_load %arg11[%swap3A_74, %swap3A_75] {strides = array<i32>} : memref<128x80xf32, #tpu.memory_space<vmem>>, vector<1x16xf32>,
        %swap3A_77 = vector.shape_cast %swap3A_76 : vector<1x16xf32> to vector<16xf32>
        %swap3A_78 = vector.shape_cast %mul3A_73 : vector<16xf32> to vector<1x16xf32>
        tpu.vector_store %arg11[%swap3A_74, %swap3A_75], %swap3A_78 {strides = array<i32>} : memref<128x80xf32, #tpu.memory_space<vmem>>, vector<1x16xf32>,
        %slice3A_79 = vector.extract_strided_slice %exp3A {offsets = [11], sizes = [1], strides = [1]} : vector<16xf32> to vector<1xf32>
        %squeeze3A_80 = vector.extract %slice3A_79[0] : f32 from vector<1xf32>
        %get3A_81 = arith.index_cast %scan3A_31 : i32 to index
        %get3A_82 = arith.constant 48 : index
        %get3A_83 = tpu.vector_load %arg11[%get3A_81, %get3A_82] {strides = array<i32>} : memref<128x80xf32, #tpu.memory_space<vmem>>, vector<1x16xf32>,
        %get3A_84 = vector.shape_cast %get3A_83 : vector<1x16xf32> to vector<16xf32>
        %mul3A_85 = vector.broadcast %squeeze3A_80 : f32 to vector<16xf32>
        %mul3A_86 = arith.mulf %get3A_84, %mul3A_85 : vector<16xf32>
        %swap3A_87 = arith.index_cast %scan3A_31 : i32 to index
        %swap3A_88 = arith.constant 48 : index
        %swap3A_89 = tpu.vector_load %arg11[%swap3A_87, %swap3A_88] {strides = array<i32>} : memref<128x80xf32, #tpu.memory_space<vmem>>, vector<1x16xf32>,
        %swap3A_90 = vector.shape_cast %swap3A_89 : vector<1x16xf32> to vector<16xf32>
        %swap3A_91 = vector.shape_cast %mul3A_86 : vector<16xf32> to vector<1x16xf32>
        tpu.vector_store %arg11[%swap3A_87, %swap3A_88], %swap3A_91 {strides = array<i32>} : memref<128x80xf32, #tpu.memory_space<vmem>>, vector<1x16xf32>,
        %swap3A_92 = arith.index_cast %scan3A_31 : i32 to index
        %swap3A_93 = arith.constant 64 : index
        %swap3A_94 = tpu.vector_load %arg11[%swap3A_92, %swap3A_93] {strides = array<i32>} : memref<128x80xf32, #tpu.memory_space<vmem>>, vector<1x16xf32>,
        %swap3A_95 = vector.shape_cast %swap3A_94 : vector<1x16xf32> to vector<16xf32>
        %swap3A_96 = vector.shape_cast %exp3A : vector<16xf32> to vector<1x16xf32>
        tpu.vector_store %arg11[%swap3A_92, %swap3A_93], %swap3A_96 {strides = array<i32>} : memref<128x80xf32, #tpu.memory_space<vmem>>, vector<1x16xf32>,
        %scan3A_97 = arith.constant 1 : i32
        %scan3A_98 = arith.addi %scan3A_31, %scan3A_97 : i32
        %get3A_99 = arith.index_cast %scan3A_98 : i32 to index
        %get3A_100 = arith.constant 56 : index
        %get3A_101 = tpu.vector_load %arg11[%get3A_99, %get3A_100] {strides = array<i32>} : memref<128x80xf32, #tpu.memory_space<vmem>>, vector<1x16xf32>,
        %get3A_102 = vector.shape_cast %get3A_101 : vector<1x16xf32> to vector<16xf32>
        %get3A_103 = arith.index_cast %scan3A_98 : i32 to index
        %get3A_104 = arith.constant 0 : index
        %get3A_105 = tpu.vector_load %arg12[%get3A_103, %get3A_104] {strides = array<i32>} : memref<128x16xf32, #tpu.memory_space<vmem>>, vector<1x16xf32>,
        %get3A_106 = vector.shape_cast %get3A_105 : vector<1x16xf32> to vector<16xf32>
        %add3A_107 = arith.addf %get3A_102, %get3A_106 : vector<16xf32>
        %mul3A_108 = arith.constant 2.000000e-01 : f32
        %mul3A_109 = vector.broadcast %mul3A_108 : f32 to vector<16xf32>
        %mul3A_110 = arith.mulf %mul3A_109, %add3A_107 : vector<16xf32>
        %max3A_111 = arith.maximumf %add3A_107, %mul3A_110 : vector<16xf32>
        %exp3A_112 = math.exp %max3A_111 : vector<16xf32>
        %slice3A_113 = vector.extract_strided_slice %exp3A_112 {offsets = [8], sizes = [1], strides = [1]} : vector<16xf32> to vector<1xf32>
        %squeeze3A_114 = vector.extract %slice3A_113[0] : f32 from vector<1xf32>
        %get3A_115 = arith.index_cast %scan3A_98 : i32 to index
        %get3A_116 = arith.constant 0 : index
        %get3A_117 = tpu.vector_load %arg11[%get3A_115, %get3A_116] {strides = array<i32>} : memref<128x80xf32, #tpu.memory_space<vmem>>, vector<1x16xf32>,
        %get3A_118 = vector.shape_cast %get3A_117 : vector<1x16xf32> to vector<16xf32>
        %mul3A_119 = vector.broadcast %squeeze3A_114 : f32 to vector<16xf32>
        %mul3A_120 = arith.mulf %get3A_118, %mul3A_119 : vector<16xf32>
        %swap3A_121 = arith.index_cast %scan3A_98 : i32 to index
        %swap3A_122 = arith.constant 0 : index
        %swap3A_123 = tpu.vector_load %arg11[%swap3A_121, %swap3A_122] {strides = array<i32>} : memref<128x80xf32, #tpu.memory_space<vmem>>, vector<1x16xf32>,
        %swap3A_124 = vector.shape_cast %swap3A_123 : vector<1x16xf32> to vector<16xf32>
        %swap3A_125 = vector.shape_cast %mul3A_120 : vector<16xf32> to vector<1x16xf32>
        tpu.vector_store %arg11[%swap3A_121, %swap3A_122], %swap3A_125 {strides = array<i32>} : memref<128x80xf32, #tpu.memory_space<vmem>>, vector<1x16xf32>,
        %slice3A_126 = vector.extract_strided_slice %exp3A_112 {offsets = [9], sizes = [1], strides = [1]} : vector<16xf32> to vector<1xf32>
        %squeeze3A_127 = vector.extract %slice3A_126[0] : f32 from vector<1xf32>
        %get3A_128 = arith.index_cast %scan3A_98 : i32 to index
        %get3A_129 = arith.constant 16 : index
        %get3A_130 = tpu.vector_load %arg11[%get3A_128, %get3A_129] {strides = array<i32>} : memref<128x80xf32, #tpu.memory_space<vmem>>, vector<1x16xf32>,
        %get3A_131 = vector.shape_cast %get3A_130 : vector<1x16xf32> to vector<16xf32>
        %mul3A_132 = vector.broadcast %squeeze3A_127 : f32 to vector<16xf32>
        %mul3A_133 = arith.mulf %get3A_131, %mul3A_132 : vector<16xf32>
        %swap3A_134 = arith.index_cast %scan3A_98 : i32 to index
        %swap3A_135 = arith.constant 16 : index
        %swap3A_136 = tpu.vector_load %arg11[%swap3A_134, %swap3A_135] {strides = array<i32>} : memref<128x80xf32, #tpu.memory_space<vmem>>, vector<1x16xf32>,
        %swap3A_137 = vector.shape_cast %swap3A_136 : vector<1x16xf32> to vector<16xf32>
        %swap3A_138 = vector.shape_cast %mul3A_133 : vector<16xf32> to vector<1x16xf32>
        tpu.vector_store %arg11[%swap3A_134, %swap3A_135], %swap3A_138 {strides = array<i32>} : memref<128x80xf32, #tpu.memory_space<vmem>>, vector<1x16xf32>,
        %slice3A_139 = vector.extract_strided_slice %exp3A_112 {offsets = [10], sizes = [1], strides = [1]} : vector<16xf32> to vector<1xf32>
        %squeeze3A_140 = vector.extract %slice3A_139[0] : f32 from vector<1xf32>
        %get3A_141 = arith.index_cast %scan3A_98 : i32 to index
        %get3A_142 = arith.constant 32 : index
        %get3A_143 = tpu.vector_load %arg11[%get3A_141, %get3A_142] {strides = array<i32>} : memref<128x80xf32, #tpu.memory_space<vmem>>, vector<1x16xf32>,
        %get3A_144 = vector.shape_cast %get3A_143 : vector<1x16xf32> to vector<16xf32>
        %mul3A_145 = vector.broadcast %squeeze3A_140 : f32 to vector<16xf32>
        %mul3A_146 = arith.mulf %get3A_144, %mul3A_145 : vector<16xf32>
        %swap3A_147 = arith.index_cast %scan3A_98 : i32 to index
        %swap3A_148 = arith.constant 32 : index
        %swap3A_149 = tpu.vector_load %arg11[%swap3A_147, %swap3A_148] {strides = array<i32>} : memref<128x80xf32, #tpu.memory_space<vmem>>, vector<1x16xf32>,
        %swap3A_150 = vector.shape_cast %swap3A_149 : vector<1x16xf32> to vector<16xf32>
        %swap3A_151 = vector.shape_cast %mul3A_146 : vector<16xf32> to vector<1x16xf32>
        tpu.vector_store %arg11[%swap3A_147, %swap3A_148], %swap3A_151 {strides = array<i32>} : memref<128x80xf32, #tpu.memory_space<vmem>>, vector<1x16xf32>,
        %slice3A_152 = vector.extract_strided_slice %exp3A_112 {offsets = [11], sizes = [1], strides = [1]} : vector<16xf32> to vector<1xf32>
        %squeeze3A_153 = vector.extract %slice3A_152[0] : f32 from vector<1xf32>
        %get3A_154 = arith.index_cast %scan3A_98 : i32 to index
        %get3A_155 = arith.constant 48 : index
        %get3A_156 = tpu.vector_load %arg11[%get3A_154, %get3A_155] {strides = array<i32>} : memref<128x80xf32, #tpu.memory_space<vmem>>, vector<1x16xf32>,
        %get3A_157 = vector.shape_cast %get3A_156 : vector<1x16xf32> to vector<16xf32>
        %mul3A_158 = vector.broadcast %squeeze3A_153 : f32 to vector<16xf32>
        %mul3A_159 = arith.mulf %get3A_157, %mul3A_158 : vector<16xf32>
        %swap3A_160 = arith.index_cast %scan3A_98 : i32 to index
        %swap3A_161 = arith.constant 48 : index
        %swap3A_162 = tpu.vector_load %arg11[%swap3A_160, %swap3A_161] {strides = array<i32>} : memref<128x80xf32, #tpu.memory_space<vmem>>, vector<1x16xf32>,
        %swap3A_163 = vector.shape_cast %swap3A_162 : vector<1x16xf32> to vector<16xf32>
        %swap3A_164 = vector.shape_cast %mul3A_159 : vector<16xf32> to vector<1x16xf32>
        tpu.vector_store %arg11[%swap3A_160, %swap3A_161], %swap3A_164 {strides = array<i32>} : memref<128x80xf32, #tpu.memory_space<vmem>>, vector<1x16xf32>,
        %swap3A_165 = arith.index_cast %scan3A_98 : i32 to index
        %swap3A_166 = arith.constant 64 : index
        %swap3A_167 = tpu.vector_load %arg11[%swap3A_165, %swap3A_166] {strides = array<i32>} : memref<128x80xf32, #tpu.memory_space<vmem>>, vector<1x16xf32>,
        %swap3A_168 = vector.shape_cast %swap3A_167 : vector<1x16xf32> to vector<16xf32>
        %swap3A_169 = vector.shape_cast %exp3A_112 : vector<16xf32> to vector<1x16xf32>
        tpu.vector_store %arg11[%swap3A_165, %swap3A_166], %swap3A_169 {strides = array<i32>} : memref<128x80xf32, #tpu.memory_space<vmem>>, vector<1x16xf32>,
      }
      %scan3A_30 = arith.constant 128 : i32
      "tpu.region"() ({
        %run_scoped3A = tpu.sem_alloc : memref<!tpu.dma_semaphore, #tpu.memory_space<semaphore_mem>>
        %dma_start3A_31 = arith.constant 0 : i32
        %dma_start3A_32 = arith.constant 0 : i32
        %dma_start3A_33 = tpu.memref_slice %arg8[%dma_start3A_31, %dma_start3A_32] : memref<10112x80xf32, #tpu.memory_space<vmem_shared>> -> memref<10112x80xf32, #tpu.memory_space<vmem_shared>>
        tpu.enqueue_indirect_dma source(%arg11 : memref<128x80xf32, #tpu.memory_space<vmem>>) target(%dma_start3A_33 : memref<10112x80xf32, #tpu.memory_space<vmem_shared>>) offsets(%arg10 : memref<128xi32, #tpu.memory_space<vmem>>) semaphore(%run_scoped3A : memref<!tpu.dma_semaphore, #tpu.memory_space<semaphore_mem>>) {add = true}
        %dma_wait3A_34 = arith.constant 0 : i32
        %dma_wait3A_35 = arith.constant 0 : i32
        %dma_wait3A_36 = tpu.memref_slice %arg8[%dma_wait3A_34, %dma_wait3A_35] : memref<10112x80xf32, #tpu.memory_space<vmem_shared>> -> memref<10112x80xf32, #tpu.memory_space<vmem_shared>>
        tpu.wait_indirect_dma semaphore(%run_scoped3A : memref<!tpu.dma_semaphore, #tpu.memory_space<semaphore_mem>>) src(%arg11 : memref<128x80xf32, #tpu.memory_space<vmem>>) dst(%dma_wait3A_36 : memref<10112x80xf32, #tpu.memory_space<vmem_shared>>)
        tpu.yield
      }) : () -> ()
    }
    %scan3A_7 = arith.constant 81 : i32
    %barrier3A_8 = arith.constant 0 : index
    tpu.barrier barrier_id(%barrier3A_8)
    "tpu.region"() ({
      %run_scoped3A = tpu.sem_alloc : memref<!tpu.dma_semaphore, #tpu.memory_space<semaphore_mem>>
      %dma_start3A = arith.constant 0 : i32
      %dma_start3A_9 = tpu.memref_slice %arg7[%arg0, %mul3A_2, %dma_start3A] : memref<2x10112x80xf32, #tpu.memory_space<hbm>> -> memref<1x632x80xf32, #tpu.memory_space<hbm>>
      %dma_start3A_10 = tpu.memref_squeeze %dma_start3A_9 : memref<1x632x80xf32, #tpu.memory_space<hbm>> -> memref<632x80xf32, #tpu.memory_space<hbm>>
      %dma_start3A_11 = arith.constant 0 : i32
      %dma_start3A_12 = tpu.memref_slice %arg8[%mul3A_2, %dma_start3A_11] : memref<10112x80xf32, #tpu.memory_space<vmem_shared>> -> memref<632x80xf32, #tpu.memory_space<vmem_shared>>
      tpu.enqueue_dma source(%dma_start3A_12 : memref<632x80xf32, #tpu.memory_space<vmem_shared>>) target(%dma_start3A_10 : memref<632x80xf32, #tpu.memory_space<hbm>>) target_semaphore(%run_scoped3A : memref<!tpu.dma_semaphore, #tpu.memory_space<semaphore_mem>>)
      %dma_wait3A = arith.constant 0 : i32
      %dma_wait3A_13 = tpu.memref_slice %arg7[%arg0, %mul3A_2, %dma_wait3A] : memref<2x10112x80xf32, #tpu.memory_space<hbm>> -> memref<1x632x80xf32, #tpu.memory_space<hbm>>
      %dma_wait3A_14 = tpu.memref_squeeze %dma_wait3A_13 : memref<1x632x80xf32, #tpu.memory_space<hbm>> -> memref<632x80xf32, #tpu.memory_space<hbm>>
      %dma_wait3A_15 = arith.constant 0 : i32
      %dma_wait3A_16 = tpu.memref_slice %arg8[%mul3A_2, %dma_wait3A_15] : memref<10112x80xf32, #tpu.memory_space<vmem_shared>> -> memref<632x80xf32, #tpu.memory_space<vmem_shared>>
      tpu.wait_dma2 semaphore(%run_scoped3A : memref<!tpu.dma_semaphore, #tpu.memory_space<semaphore_mem>>) src(%dma_wait3A_16 : memref<632x80xf32, #tpu.memory_space<vmem_shared>>) dst(%dma_wait3A_14 : memref<632x80xf32, #tpu.memory_space<hbm>>)
      tpu.yield
    }) : () -> ()
    return
  }
}

module attributes {stable_mosaic.version = 14 : i64} {
  func.func @_dense_tables_kernel(%arg0: i32, %arg1: memref<2000x128xf32, #tpu.memory_space<vmem>>, %arg2: memref<128x64xf32, #tpu.memory_space<vmem>>, %arg3: memref<64x80xf32, #tpu.memory_space<vmem>>, %arg4: memref<64x16xf32, #tpu.memory_space<vmem>>, %arg5: memref<2000x80xf32, #tpu.memory_space<vmem>>, %arg6: memref<2000x16xf32, #tpu.memory_space<vmem>>) attributes {dimension_semantics = [#tpu.dimension_semantics<arbitrary>], iteration_bounds = array<i64: 5>, scalar_prefetch = 0 : i64, scratch_operands = 0 : i64, tpu.core_type = #tpu.core_type<tc>, window_params = [{transform_indices = @transform_0, window_bounds = array<i64: 2000, 128>}, {pipeline_mode = #tpu.pipeline_mode<synchronous>, transform_indices = @transform_1, window_bounds = array<i64: 128, 64>}, {pipeline_mode = #tpu.pipeline_mode<synchronous>, transform_indices = @transform_2, window_bounds = array<i64: 64, 80>}, {pipeline_mode = #tpu.pipeline_mode<synchronous>, transform_indices = @transform_3, window_bounds = array<i64: 64, 16>}, {transform_indices = @transform_4, window_bounds = array<i64: 2000, 80>}, {transform_indices = @transform_5, window_bounds = array<i64: 2000, 16>}]} {
    %get3A = arith.constant 0 : index
    %get3A_0 = arith.constant 0 : index
    %get3A_1 = vector.load %arg1[%get3A, %get3A_0] : memref<2000x128xf32, #tpu.memory_space<vmem>>, vector<2000x128xf32>
    %get3A_2 = arith.constant 0 : index
    %get3A_3 = arith.constant 0 : index
    %get3A_4 = vector.load %arg2[%get3A_2, %get3A_3] : memref<128x64xf32, #tpu.memory_space<vmem>>, vector<128x64xf32>
    %dot_general3A = arith.constant dense<0.000000e+00> : vector<2000x64xf32>
    %dot_general3A_5 = tpu.matmul %get3A_1, %get3A_4, %dot_general3A {dimension_numbers = #tpu.dot_dimension_numbers<[1], [0], [0], [1], [0, 0, 1, 1], [], []>, transpose_lhs_hint = false} : vector<2000x128xf32>, vector<128x64xf32>, vector<2000x64xf32> -> vector<2000x64xf32>
    %get3A_6 = arith.constant 0 : index
    %get3A_7 = arith.constant 0 : index
    %get3A_8 = vector.load %arg3[%get3A_6, %get3A_7] : memref<64x80xf32, #tpu.memory_space<vmem>>, vector<64x80xf32>
    %dot_general3A_9 = arith.constant dense<0.000000e+00> : vector<2000x80xf32>
    %dot_general3A_10 = tpu.matmul %dot_general3A_5, %get3A_8, %dot_general3A_9 {dimension_numbers = #tpu.dot_dimension_numbers<[1], [0], [0], [1], [0, 0, 1, 1], [], []>, transpose_lhs_hint = false} : vector<2000x64xf32>, vector<64x80xf32>, vector<2000x80xf32> -> vector<2000x80xf32>
    %swap3A = arith.constant 0 : index
    %swap3A_11 = arith.constant 0 : index
    %swap3A_12 = vector.load %arg5[%swap3A, %swap3A_11] : memref<2000x80xf32, #tpu.memory_space<vmem>>, vector<2000x80xf32>
    tpu.vector_store %arg5[%swap3A, %swap3A_11], %dot_general3A_10 {strides = array<i32>} : memref<2000x80xf32, #tpu.memory_space<vmem>>, vector<2000x80xf32>,
    %get3A_13 = arith.constant 0 : index
    %get3A_14 = arith.constant 0 : index
    %get3A_15 = vector.load %arg4[%get3A_13, %get3A_14] : memref<64x16xf32, #tpu.memory_space<vmem>>, vector<64x16xf32>
    %dot_general3A_16 = arith.constant dense<0.000000e+00> : vector<2000x16xf32>
    %dot_general3A_17 = tpu.matmul %dot_general3A_5, %get3A_15, %dot_general3A_16 {dimension_numbers = #tpu.dot_dimension_numbers<[1], [0], [0], [1], [0, 0, 1, 1], [], []>, transpose_lhs_hint = false} : vector<2000x64xf32>, vector<64x16xf32>, vector<2000x16xf32> -> vector<2000x16xf32>
    %swap3A_18 = arith.constant 0 : index
    %swap3A_19 = arith.constant 0 : index
    %swap3A_20 = vector.load %arg6[%swap3A_18, %swap3A_19] : memref<2000x16xf32, #tpu.memory_space<vmem>>, vector<2000x16xf32>
    tpu.vector_store %arg6[%swap3A_18, %swap3A_19], %dot_general3A_17 {strides = array<i32>} : memref<2000x16xf32, #tpu.memory_space<vmem>>, vector<2000x16xf32>,
    return
  }
  func.func @transform_0(%arg0: i32) -> (i32, i32) {
    %c0_i32 = arith.constant 0 : i32
    %c0_i32_0 = arith.constant 0 : i32
    return %arg0, %c0_i32 : i32, i32
  }
  func.func @transform_1(%arg0: i32) -> (i32, i32) {
    %c0_i32 = arith.constant 0 : i32
    %c0_i32_0 = arith.constant 0 : i32
    %c0_i32_1 = arith.constant 0 : i32
    return %c0_i32, %c0_i32_0 : i32, i32
  }
  func.func @transform_2(%arg0: i32) -> (i32, i32) {
    %c0_i32 = arith.constant 0 : i32
    %c0_i32_0 = arith.constant 0 : i32
    %c0_i32_1 = arith.constant 0 : i32
    return %c0_i32, %c0_i32_0 : i32, i32
  }
  func.func @transform_3(%arg0: i32) -> (i32, i32) {
    %c0_i32 = arith.constant 0 : i32
    %c0_i32_0 = arith.constant 0 : i32
    %c0_i32_1 = arith.constant 0 : i32
    return %c0_i32, %c0_i32_0 : i32, i32
  }
  func.func @transform_4(%arg0: i32) -> (i32, i32) {
    %c0_i32 = arith.constant 0 : i32
    %c0_i32_0 = arith.constant 0 : i32
    return %arg0, %c0_i32 : i32, i32
  }
  func.func @transform_5(%arg0: i32) -> (i32, i32) {
    %c0_i32 = arith.constant 0 : i32
    %c0_i32_0 = arith.constant 0 : i32
    return %arg0, %c0_i32 : i32, i32
  }
}

module attributes {stable_mosaic.version = 14 : i64} {
  func.func @_epilogue_dense_kernel(%arg0: memref<2x10112x80xf32, #tpu.memory_space<vmem>>, %arg1: memref<1x64xf32, #tpu.memory_space<vmem>>, %arg2: memref<1x64xf32, #tpu.memory_space<vmem>>, %arg3: memref<1x64xf32, #tpu.memory_space<vmem>>, %arg4: memref<4x64xf32, #tpu.memory_space<vmem>>, %arg5: memref<64x64xf32, #tpu.memory_space<vmem>>, %arg6: memref<64x80xf32, #tpu.memory_space<vmem>>, %arg7: memref<64x16xf32, #tpu.memory_space<vmem>>, %arg8: memref<10000x80xf32, #tpu.memory_space<vmem>>, %arg9: memref<10000x16xf32, #tpu.memory_space<vmem>>) attributes {dimension_semantics = [], scalar_prefetch = 0 : i64, scratch_operands = 0 : i64, tpu.core_type = #tpu.core_type<tc>} {
    %get3A = arith.constant 0 : index
    %get3A_0 = arith.constant 0 : index
    %get3A_1 = arith.constant 0 : index
    %get3A_2 = vector.load %arg0[%get3A, %get3A_0, %get3A_1] : memref<2x10112x80xf32, #tpu.memory_space<vmem>>, vector<2x10112x80xf32>
    %get3A_3 = arith.constant 0 : index
    %get3A_4 = arith.constant 0 : index
    %get3A_5 = vector.load %arg1[%get3A_3, %get3A_4] : memref<1x64xf32, #tpu.memory_space<vmem>>, vector<1x64xf32>
    %get3A_6 = arith.constant 0 : index
    %get3A_7 = arith.constant 0 : index
    %get3A_8 = vector.load %arg2[%get3A_6, %get3A_7] : memref<1x64xf32, #tpu.memory_space<vmem>>, vector<1x64xf32>
    %get3A_9 = arith.constant 0 : index
    %get3A_10 = arith.constant 0 : index
    %get3A_11 = vector.load %arg3[%get3A_9, %get3A_10] : memref<1x64xf32, #tpu.memory_space<vmem>>, vector<1x64xf32>
    %get3A_12 = arith.constant 0 : index
    %get3A_13 = arith.constant 0 : index
    %get3A_14 = vector.load %arg4[%get3A_12, %get3A_13] : memref<4x64xf32, #tpu.memory_space<vmem>>, vector<4x64xf32>
    %slice3A = vector.extract_strided_slice %get3A_2 {offsets = [0, 0, 0], sizes = [1, 10112, 80], strides = [1, 1, 1]} : vector<2x10112x80xf32> to vector<1x10112x80xf32>
    %squeeze3A = vector.shape_cast %slice3A : vector<1x10112x80xf32> to vector<10112x80xf32>
    %slice3A_15 = vector.extract_strided_slice %get3A_2 {offsets = [1, 0, 0], sizes = [1, 10112, 80], strides = [1, 1, 1]} : vector<2x10112x80xf32> to vector<1x10112x80xf32>
    %squeeze3A_16 = vector.shape_cast %slice3A_15 : vector<1x10112x80xf32> to vector<10112x80xf32>
    %slice3A_17 = vector.extract_strided_slice %squeeze3A {offsets = [0, 0], sizes = [10000, 64], strides = [1, 1]} : vector<10112x80xf32> to vector<10000x64xf32>
    %slice3A_18 = vector.extract_strided_slice %squeeze3A_16 {offsets = [0, 0], sizes = [10000, 64], strides = [1, 1]} : vector<10112x80xf32> to vector<10000x64xf32>
    %add3A = arith.addf %slice3A_17, %slice3A_18 : vector<10000x64xf32>
    %slice3A_19 = vector.extract_strided_slice %squeeze3A {offsets = [0, 72], sizes = [10000, 4], strides = [1, 1]} : vector<10112x80xf32> to vector<10000x4xf32>
    %slice3A_20 = vector.extract_strided_slice %squeeze3A_16 {offsets = [0, 72], sizes = [10000, 4], strides = [1, 1]} : vector<10112x80xf32> to vector<10000x4xf32>
    %add3A_21 = arith.addf %slice3A_19, %slice3A_20 : vector<10000x4xf32>
    %dot_general3A = arith.constant dense<0.000000e+00> : vector<10000x64xf32>
    %dot_general3A_22 = tpu.matmul %add3A_21, %get3A_14, %dot_general3A {dimension_numbers = #tpu.dot_dimension_numbers<[1], [0], [0], [1], [0, 0, 1, 1], [], []>, transpose_lhs_hint = false} : vector<10000x4xf32>, vector<4x64xf32>, vector<10000x64xf32> -> vector<10000x64xf32>
    %add3A_23 = arith.constant 1.000000e-16 : f32
    %add3A_24 = vector.broadcast %add3A_23 : f32 to vector<10000x64xf32>
    %add3A_25 = arith.addf %dot_general3A_22, %add3A_24 : vector<10000x64xf32>
    %div3A = arith.divf %add3A, %add3A_25 : vector<10000x64xf32>
    %add3A_26 = vector.broadcast %get3A_5 : vector<1x64xf32> to vector<10000x64xf32>
    %add3A_27 = arith.addf %div3A, %add3A_26 : vector<10000x64xf32>
    %reduce_sum3A = arith.constant dense<0.000000e+00> : vector<64xf32>
    %reduce_sum3A_28 = vector.multi_reduction <add>, %add3A_27, %reduce_sum3A [0] : vector<10000x64xf32> to vector<64xf32>
    %broadcast_in_dim3A = vector.shape_cast %reduce_sum3A_28 : vector<64xf32> to vector<1x64xf32>
    %div3A_29 = arith.constant 1.000000e+04 : f32
    %div3A_30 = vector.broadcast %div3A_29 : f32 to vector<1x64xf32>
    %div3A_31 = arith.divf %broadcast_in_dim3A, %div3A_30 : vector<1x64xf32>
    %sub3A = vector.broadcast %div3A_31 : vector<1x64xf32> to vector<10000x64xf32>
    %sub3A_32 = arith.subf %add3A_27, %sub3A : vector<10000x64xf32>
    %sub3A_33 = vector.broadcast %div3A_31 : vector<1x64xf32> to vector<10000x64xf32>
    %sub3A_34 = arith.subf %add3A_27, %sub3A_33 : vector<10000x64xf32>
    %mul3A = arith.mulf %sub3A_32, %sub3A_34 : vector<10000x64xf32>
    %reduce_sum3A_35 = arith.constant dense<0.000000e+00> : vector<64xf32>
    %reduce_sum3A_36 = vector.multi_reduction <add>, %mul3A, %reduce_sum3A_35 [0] : vector<10000x64xf32> to vector<64xf32>
    %broadcast_in_dim3A_37 = vector.shape_cast %reduce_sum3A_36 : vector<64xf32> to vector<1x64xf32>
    %div3A_38 = arith.constant 1.000000e+04 : f32
    %div3A_39 = vector.broadcast %div3A_38 : f32 to vector<1x64xf32>
    %div3A_40 = arith.divf %broadcast_in_dim3A_37, %div3A_39 : vector<1x64xf32>
    %sub3A_41 = vector.broadcast %div3A_31 : vector<1x64xf32> to vector<10000x64xf32>
    %sub3A_42 = arith.subf %add3A_27, %sub3A_41 : vector<10000x64xf32>
    %mul3A_43 = vector.broadcast %get3A_8 : vector<1x64xf32> to vector<10000x64xf32>
    %mul3A_44 = arith.mulf %mul3A_43, %sub3A_42 : vector<10000x64xf32>
    %add3A_45 = arith.constant 9.99999974E-6 : f32
    %add3A_46 = vector.broadcast %add3A_45 : f32 to vector<1x64xf32>
    %add3A_47 = arith.addf %div3A_40, %add3A_46 : vector<1x64xf32>
    %rsqrt3A = math.rsqrt %add3A_47 : vector<1x64xf32>
    %mul3A_48 = vector.broadcast %rsqrt3A : vector<1x64xf32> to vector<10000x64xf32>
    %mul3A_49 = arith.mulf %mul3A_44, %mul3A_48 : vector<10000x64xf32>
    %add3A_50 = vector.broadcast %get3A_11 : vector<1x64xf32> to vector<10000x64xf32>
    %add3A_51 = arith.addf %mul3A_49, %add3A_50 : vector<10000x64xf32>
    %max3A = arith.constant 0.000000e+00 : f32
    %max3A_52 = vector.broadcast %max3A : f32 to vector<10000x64xf32>
    %max3A_53 = arith.maximumf %add3A_51, %max3A_52 : vector<10000x64xf32>
    %get3A_54 = arith.constant 0 : index
    %get3A_55 = arith.constant 0 : index
    %get3A_56 = vector.load %arg5[%get3A_54, %get3A_55] : memref<64x64xf32, #tpu.memory_space<vmem>>, vector<64x64xf32>
    %dot_general3A_57 = arith.constant dense<0.000000e+00> : vector<10000x64xf32>
    %dot_general3A_58 = tpu.matmul %max3A_53, %get3A_56, %dot_general3A_57 {dimension_numbers = #tpu.dot_dimension_numbers<[1], [0], [0], [1], [0, 0, 1, 1], [], []>, transpose_lhs_hint = false} : vector<10000x64xf32>, vector<64x64xf32>, vector<10000x64xf32> -> vector<10000x64xf32>
    %get3A_59 = arith.constant 0 : index
    %get3A_60 = arith.constant 0 : index
    %get3A_61 = vector.load %arg6[%get3A_59, %get3A_60] : memref<64x80xf32, #tpu.memory_space<vmem>>, vector<64x80xf32>
    %dot_general3A_62 = arith.constant dense<0.000000e+00> : vector<10000x80xf32>
    %dot_general3A_63 = tpu.matmul %dot_general3A_58, %get3A_61, %dot_general3A_62 {dimension_numbers = #tpu.dot_dimension_numbers<[1], [0], [0], [1], [0, 0, 1, 1], [], []>, transpose_lhs_hint = false} : vector<10000x64xf32>, vector<64x80xf32>, vector<10000x80xf32> -> vector<10000x80xf32>
    %swap3A = arith.constant 0 : index
    %swap3A_64 = arith.constant 0 : index
    %swap3A_65 = vector.load %arg8[%swap3A, %swap3A_64] : memref<10000x80xf32, #tpu.memory_space<vmem>>, vector<10000x80xf32>
    tpu.vector_store %arg8[%swap3A, %swap3A_64], %dot_general3A_63 {strides = array<i32>} : memref<10000x80xf32, #tpu.memory_space<vmem>>, vector<10000x80xf32>,
    %get3A_66 = arith.constant 0 : index
    %get3A_67 = arith.constant 0 : index
    %get3A_68 = vector.load %arg7[%get3A_66, %get3A_67] : memref<64x16xf32, #tpu.memory_space<vmem>>, vector<64x16xf32>
    %dot_general3A_69 = arith.constant dense<0.000000e+00> : vector<10000x16xf32>
    %dot_general3A_70 = tpu.matmul %dot_general3A_58, %get3A_68, %dot_general3A_69 {dimension_numbers = #tpu.dot_dimension_numbers<[1], [0], [0], [1], [0, 0, 1, 1], [], []>, transpose_lhs_hint = false} : vector<10000x64xf32>, vector<64x16xf32>, vector<10000x16xf32> -> vector<10000x16xf32>
    %swap3A_71 = arith.constant 0 : index
    %swap3A_72 = arith.constant 0 : index
    %swap3A_73 = vector.load %arg9[%swap3A_71, %swap3A_72] : memref<10000x16xf32, #tpu.memory_space<vmem>>, vector<10000x16xf32>
    tpu.vector_store %arg9[%swap3A_71, %swap3A_72], %dot_general3A_70 {strides = array<i32>} : memref<10000x16xf32, #tpu.memory_space<vmem>>, vector<10000x16xf32>,
    return
  }
}

module attributes {stable_mosaic.version = 14 : i64} {
  func.func @_epilogue_final_kernel(%arg0: memref<2x10112x80xf32, #tpu.memory_space<vmem>>, %arg1: memref<1x64xf32, #tpu.memory_space<vmem>>, %arg2: memref<1x64xf32, #tpu.memory_space<vmem>>, %arg3: memref<1x64xf32, #tpu.memory_space<vmem>>, %arg4: memref<4x64xf32, #tpu.memory_space<vmem>>, %arg5: memref<10000x64xf32, #tpu.memory_space<vmem>>) attributes {dimension_semantics = [], scalar_prefetch = 0 : i64, scratch_operands = 0 : i64, tpu.core_type = #tpu.core_type<tc>} {
    %get3A = arith.constant 0 : index
    %get3A_0 = arith.constant 0 : index
    %get3A_1 = arith.constant 0 : index
    %get3A_2 = vector.load %arg0[%get3A, %get3A_0, %get3A_1] : memref<2x10112x80xf32, #tpu.memory_space<vmem>>, vector<2x10112x80xf32>
    %get3A_3 = arith.constant 0 : index
    %get3A_4 = arith.constant 0 : index
    %get3A_5 = vector.load %arg1[%get3A_3, %get3A_4] : memref<1x64xf32, #tpu.memory_space<vmem>>, vector<1x64xf32>
    %get3A_6 = arith.constant 0 : index
    %get3A_7 = arith.constant 0 : index
    %get3A_8 = vector.load %arg2[%get3A_6, %get3A_7] : memref<1x64xf32, #tpu.memory_space<vmem>>, vector<1x64xf32>
    %get3A_9 = arith.constant 0 : index
    %get3A_10 = arith.constant 0 : index
    %get3A_11 = vector.load %arg3[%get3A_9, %get3A_10] : memref<1x64xf32, #tpu.memory_space<vmem>>, vector<1x64xf32>
    %get3A_12 = arith.constant 0 : index
    %get3A_13 = arith.constant 0 : index
    %get3A_14 = vector.load %arg4[%get3A_12, %get3A_13] : memref<4x64xf32, #tpu.memory_space<vmem>>, vector<4x64xf32>
    %slice3A = vector.extract_strided_slice %get3A_2 {offsets = [0, 0, 0], sizes = [1, 10112, 80], strides = [1, 1, 1]} : vector<2x10112x80xf32> to vector<1x10112x80xf32>
    %squeeze3A = vector.shape_cast %slice3A : vector<1x10112x80xf32> to vector<10112x80xf32>
    %slice3A_15 = vector.extract_strided_slice %get3A_2 {offsets = [1, 0, 0], sizes = [1, 10112, 80], strides = [1, 1, 1]} : vector<2x10112x80xf32> to vector<1x10112x80xf32>
    %squeeze3A_16 = vector.shape_cast %slice3A_15 : vector<1x10112x80xf32> to vector<10112x80xf32>
    %slice3A_17 = vector.extract_strided_slice %squeeze3A {offsets = [0, 0], sizes = [10000, 64], strides = [1, 1]} : vector<10112x80xf32> to vector<10000x64xf32>
    %slice3A_18 = vector.extract_strided_slice %squeeze3A_16 {offsets = [0, 0], sizes = [10000, 64], strides = [1, 1]} : vector<10112x80xf32> to vector<10000x64xf32>
    %add3A = arith.addf %slice3A_17, %slice3A_18 : vector<10000x64xf32>
    %slice3A_19 = vector.extract_strided_slice %squeeze3A {offsets = [0, 72], sizes = [10000, 4], strides = [1, 1]} : vector<10112x80xf32> to vector<10000x4xf32>
    %slice3A_20 = vector.extract_strided_slice %squeeze3A_16 {offsets = [0, 72], sizes = [10000, 4], strides = [1, 1]} : vector<10112x80xf32> to vector<10000x4xf32>
    %add3A_21 = arith.addf %slice3A_19, %slice3A_20 : vector<10000x4xf32>
    %dot_general3A = arith.constant dense<0.000000e+00> : vector<10000x64xf32>
    %dot_general3A_22 = tpu.matmul %add3A_21, %get3A_14, %dot_general3A {dimension_numbers = #tpu.dot_dimension_numbers<[1], [0], [0], [1], [0, 0, 1, 1], [], []>, transpose_lhs_hint = false} : vector<10000x4xf32>, vector<4x64xf32>, vector<10000x64xf32> -> vector<10000x64xf32>
    %add3A_23 = arith.constant 1.000000e-16 : f32
    %add3A_24 = vector.broadcast %add3A_23 : f32 to vector<10000x64xf32>
    %add3A_25 = arith.addf %dot_general3A_22, %add3A_24 : vector<10000x64xf32>
    %div3A = arith.divf %add3A, %add3A_25 : vector<10000x64xf32>
    %add3A_26 = vector.broadcast %get3A_5 : vector<1x64xf32> to vector<10000x64xf32>
    %add3A_27 = arith.addf %div3A, %add3A_26 : vector<10000x64xf32>
    %reduce_sum3A = arith.constant dense<0.000000e+00> : vector<64xf32>
    %reduce_sum3A_28 = vector.multi_reduction <add>, %add3A_27, %reduce_sum3A [0] : vector<10000x64xf32> to vector<64xf32>
    %broadcast_in_dim3A = vector.shape_cast %reduce_sum3A_28 : vector<64xf32> to vector<1x64xf32>
    %div3A_29 = arith.constant 1.000000e+04 : f32
    %div3A_30 = vector.broadcast %div3A_29 : f32 to vector<1x64xf32>
    %div3A_31 = arith.divf %broadcast_in_dim3A, %div3A_30 : vector<1x64xf32>
    %sub3A = vector.broadcast %div3A_31 : vector<1x64xf32> to vector<10000x64xf32>
    %sub3A_32 = arith.subf %add3A_27, %sub3A : vector<10000x64xf32>
    %sub3A_33 = vector.broadcast %div3A_31 : vector<1x64xf32> to vector<10000x64xf32>
    %sub3A_34 = arith.subf %add3A_27, %sub3A_33 : vector<10000x64xf32>
    %mul3A = arith.mulf %sub3A_32, %sub3A_34 : vector<10000x64xf32>
    %reduce_sum3A_35 = arith.constant dense<0.000000e+00> : vector<64xf32>
    %reduce_sum3A_36 = vector.multi_reduction <add>, %mul3A, %reduce_sum3A_35 [0] : vector<10000x64xf32> to vector<64xf32>
    %broadcast_in_dim3A_37 = vector.shape_cast %reduce_sum3A_36 : vector<64xf32> to vector<1x64xf32>
    %div3A_38 = arith.constant 1.000000e+04 : f32
    %div3A_39 = vector.broadcast %div3A_38 : f32 to vector<1x64xf32>
    %div3A_40 = arith.divf %broadcast_in_dim3A_37, %div3A_39 : vector<1x64xf32>
    %sub3A_41 = vector.broadcast %div3A_31 : vector<1x64xf32> to vector<10000x64xf32>
    %sub3A_42 = arith.subf %add3A_27, %sub3A_41 : vector<10000x64xf32>
    %mul3A_43 = vector.broadcast %get3A_8 : vector<1x64xf32> to vector<10000x64xf32>
    %mul3A_44 = arith.mulf %mul3A_43, %sub3A_42 : vector<10000x64xf32>
    %add3A_45 = arith.constant 9.99999974E-6 : f32
    %add3A_46 = vector.broadcast %add3A_45 : f32 to vector<1x64xf32>
    %add3A_47 = arith.addf %div3A_40, %add3A_46 : vector<1x64xf32>
    %rsqrt3A = math.rsqrt %add3A_47 : vector<1x64xf32>
    %mul3A_48 = vector.broadcast %rsqrt3A : vector<1x64xf32> to vector<10000x64xf32>
    %mul3A_49 = arith.mulf %mul3A_44, %mul3A_48 : vector<10000x64xf32>
    %add3A_50 = vector.broadcast %get3A_11 : vector<1x64xf32> to vector<10000x64xf32>
    %add3A_51 = arith.addf %mul3A_49, %add3A_50 : vector<10000x64xf32>
    %max3A = arith.constant 0.000000e+00 : f32
    %max3A_52 = vector.broadcast %max3A : f32 to vector<10000x64xf32>
    %max3A_53 = arith.maximumf %add3A_51, %max3A_52 : vector<10000x64xf32>
    %swap3A = arith.constant 0 : index
    %swap3A_54 = arith.constant 0 : index
    %swap3A_55 = vector.load %arg5[%swap3A, %swap3A_54] : memref<10000x64xf32, #tpu.memory_space<vmem>>, vector<10000x64xf32>
    tpu.vector_store %arg5[%swap3A, %swap3A_54], %max3A_53 {strides = array<i32>} : memref<10000x64xf32, #tpu.memory_space<vmem>>, vector<10000x64xf32>,
    return
  }
}

</mosaic_0001>

<sc_bundles>
// kernel: kernel.10.cloned.1.call-start
scs
__scs_entry_jumppad:
0x0: {  	(pc) =	sbr.rel $0x88, $3  }
0x1: {  	(tag) =	ssettag $0x0;
	lr =	simm.s32 $0x1  }
0x2: {  	[smem:$0x3F93] =	sst lr;
	_ =	strace $0xD0000000  }
0x3: {  	_ = 	snop  }
0x4: {  	_ = 	snop  }
0x5: {  	_ = 	snop  }
0x6: {  	_ = 	snop  }
0x7: {  	_ = 	snop  }
__scs_overlays_trampoline_lowered:
0x8: {  	[smem:$0x3FA2] =	sst s0  }
0x9: {  	[smem:$0x3FA3] =	sst s1  }
0xa: {  	[smem:$0x3FA4] =	sst s2  }
0xb: {  	[smem:$0x3FA5] =	sst s3  }
0xc: {  	[smem:$0x3FA6] =	sst s4  }
0xd: {  	[smem:$0x3FA7] =	sst s5  }
0xe: {  	[smem:$0x3FA8] =	sst s6  }
0xf: {  	[smem:$0x3FA9] =	sst s7  }
0x10: {  	[smem:$0x3FAA] =	sst s8  }
0x11: {  	[smem:$0x3FAB] =	sst s9;
	s0 =	simm.s32 @!p0 $0x0  }
0x12: {  	s1 =	sld [smem:$0x3F91];
	s0 =	simm.s32 @p0 $0x1  }
0x13: {  	[smem:$0x3FAC] =	sst s0;
	s0 =	simm.s32 @!p1 $0x0  }
0x14: {  	s2 =	sld [smem:$0x3F90];
	s0 =	simm.s32 @p1 $0x1  }
0x15: {  	[smem:$0x3FAD] =	sst s0;
	s0 =	simm.s32 @!p2 $0x0  }
0x16: {  	s3 =	sld [smem:$0x3FDB];
	s0 =	simm.s32 @p2 $0x1  }
0x17: {  	s4 =	simm.s32 $0x1BF5;
	[smem:$0x3FAF] =	sst s0  }
0x18: {  	s0 =	sld [smem:$0x3F92];
	_ =	swait.ge [sflag:s4], $0x0  }
0x19: {  	s7 =	sld [smem:$0x3F93]  }
0x1a: {  	s8 =	sadd.s32 $0xFFFFE003, lr  }
0x1b: {  	s9 =	sadd.s32 $0xFFFFFEF7, lr;
	s5 =	simm.s32 $0xFFFFFFFF;
	p2 =	slt.u32 s8, $0xFFFFF086  }
0x1c: {  	p1 =	slt.u32 s9, $0xF7A;
	s5 =	simm.s32 @!p2 $0x0  }
0x1d: {  	s5 =	simm.s32 @p1 $0x1;
	p0 =	seq.s32 s7, s2  }
0x1e: {  	s7 =	smul.u32 @!p0 $0xF7A, s2;
	p2 =	seq.s32 @!p0 s5, $0x0  }
0x1f: {  	s9 =	smul.u32 $0xF7A, s1;
	s8 =	simm.s32 @!p0 $0x1BF5;
	p2 =	por !p2, p0  }
0x20: {  	[sflag:s8] =	ssyncset.s32 @!p0 $0xFFFFF086;
	s6 =	sadd.s32 @!p0 s3, s7;
	s7 =	simm.s32 @!p0 $0x108  }
0x21: {  	s3 =	sadd.s32 s3, s9;
	s6 =	sadd.s32 @!p0 $0x88, s6;
	s7 =	simm.s32 @p2 $0x1082  }
0x22: {  	[simem:s7], [sflag:s8] =	dma.local @!p0 [hbm:s6], $0xF7A  }
0x23: {  	s9 =	sor.u32 $0xD0000000, s2;
	s6 =	simm.s32 $0x108;
	_ =	swait.ge @!p0 [sflag:s8], $0x0  }
0x24: {  	s3 =	sadd.s32 $0x88, s3;
	s6 =	simm.s32 @!p1 $0x1082;
	[sflag:s4] =	ssyncset.s32 $0xFFFFF086  }
0x25: {  	[simem:s6], [sflag:s4] =	dma.local [hbm:s3], $0xF7A  }
0x26: {  	[smem:$0x3F93] =	sst s1;
	(tag) =	ssettag s2;
	_ =	strace s9  }
0x27: {  	s1 =	sld [smem:$0x3FA3]  }
0x28: {  	s2 =	sld [smem:$0x3FA4]  }
0x29: {  	s4 =	sld [smem:$0x3FA6]  }
0x2a: {  	p0 =	seq.s32 s5, $0x0;
	s5 =	sld [smem:$0x3FA7]  }
0x2b: {  	s6 =	sld [smem:$0x3FA8]  }
0x2c: {  	s7 =	sld [smem:$0x3FA9]  }
0x2d: {  	s3 =	simm.s32 $0x108;
	s8 =	sld [smem:$0x3FAA]  }
0x2e: {  	s3 =	simm.s32 @!p0 $0x1082;
	s9 =	sld [smem:$0x3FAB]  }
0x2f: {  	lr =	sadd.s32 s0, s3;
	s0 =	sld [smem:$0x3FA2]  }
0x30: {  	s3 =	sld [smem:$0x3FA5]  }
0x31: {  	[smem:$0x3FAE] =	sst s10  }
0x32: {  	s10 =	sld [smem:$0x3FAC];
	_ =	sdelay $0x3  }
0x33: {  	p0 =	seq.s32 s10, $0x1;
	s10 =	sld [smem:$0x3FAE];
	_ =	sdelay $0x3  }
0x34: {  	[smem:$0x3FAE] =	sst s10  }
0x35: {  	s10 =	sld [smem:$0x3FAD];
	_ =	sdelay $0x3  }
0x36: {  	p1 =	seq.s32 s10, $0x1;
	s10 =	sld [smem:$0x3FAE];
	_ =	sdelay $0x3  }
0x37: {  	[smem:$0x3FAE] =	sst s10  }
0x38: {  	s10 =	sld [smem:$0x3FAF]  }
0x39: {  	_ = 	snop;
	(pc) =	sbr.ind lr, $3  }
0x3a: {  	_ = 	snop  }
0x3b: {  	_ = 	snop  }
0x3c: {  	p2 =	seq.s32 s10, $0x1;
	s10 =	sld [smem:$0x3FAE]  }
0x3d: {  	_ =	shalt  }
0x3e: {  	_ =	shalt  }
0x3f: {  	_ =	shalt  }
0x40: {  	_ =	shalt  }
0x41: {  	_ =	shalt  }
0x42: {  	_ =	shalt  }
0x43: {  	_ =	shalt  }
0x44: {  	_ =	shalt  }
0x45: {  	_ =	shalt  }
0x46: {  	_ =	shalt  }
0x47: {  	_ =	shalt  }
0x48: {  	_ =	shalt  }
0x49: {  	_ =	shalt  }
0x4a: {  	_ =	shalt  }
0x4b: {  	_ =	shalt  }
0x4c: {  	_ =	shalt  }
0x4d: {  	_ =	shalt  }
0x4e: {  	_ =	shalt  }
0x4f: {  	_ =	shalt  }
0x50: {  	_ =	shalt  }
0x51: {  	_ =	shalt  }
0x52: {  	_ =	shalt  }
0x53: {  	_ =	shalt  }
0x54: {  	_ =	shalt  }
0x55: {  	_ =	shalt  }
0x56: {  	_ =	shalt  }
0x57: {  	_ =	shalt  }
0x58: {  	_ =	shalt  }
0x59: {  	_ =	shalt  }
0x5a: {  	_ =	shalt  }
0x5b: {  	_ =	shalt  }
0x5c: {  	_ =	shalt  }
0x5d: {  	_ =	shalt  }
0x5e: {  	_ =	shalt  }
0x5f: {  	_ =	shalt  }
0x60: {  	_ =	shalt  }
0x61: {  	_ =	shalt  }
0x62: {  	_ =	shalt  }
0x63: {  	_ =	shalt  }
0x64: {  	_ =	shalt  }
0x65: {  	_ =	shalt  }
0x66: {  	_ =	shalt  }
0x67: {  	_ =	shalt  }
0x68: {  	_ =	shalt  }
0x69: {  	_ =	shalt  }
0x6a: {  	_ =	shalt  }
0x6b: {  	_ =	shalt  }
0x6c: {  	_ =	shalt  }
0x6d: {  	_ =	shalt  }
0x6e: {  	_ =	shalt  }
0x6f: {  	_ =	shalt  }
0x70: {  	_ =	shalt  }
0x71: {  	_ =	shalt  }
0x72: {  	_ =	shalt  }
0x73: {  	_ =	shalt  }
0x74: {  	_ =	shalt  }
0x75: {  	_ =	shalt  }
0x76: {  	_ =	shalt  }
0x77: {  	_ =	shalt  }
0x78: {  	_ =	shalt  }
0x79: {  	_ =	shalt  }
0x7a: {  	_ =	shalt  }
0x7b: {  	_ =	shalt  }
0x7c: {  	_ =	shalt  }
0x7d: {  	_ =	shalt  }
0x7e: {  	_ =	shalt  }
0x7f: {  	_ =	shalt  }
0x80: {  	_ =	shalt  }
0x81: {  	_ =	shalt  }
0x82: {  	_ =	shalt  }
0x83: {  	_ =	shalt  }
0x84: {  	_ =	shalt  }
0x85: {  	_ =	shalt  }
0x86: {  	_ =	shalt  }
0x87: {  	_ =	shalt  }
.Lfunc_end0:
.L_simem_size_0:
called_computation.1_lowered:
.L_overlay_start_0:
0x88: {  	s2 =	sld [smem:$0x3FD9]  }
0x89: {  	s3 =	sld [smem:$0x3FFE];
	_ =	sdelay $0x1  }
0x8a: {  	s1 =	srdreg.scid  }
0x8b: {  	s0 =	sand.u32 $0x1, s1  }
0x8c: {  	s17 =	sshll.u32 s0, $0xA;
	s2 =	sadd.s32 s3, s2  }
0x8d: {  	s2 =	sadd.s32 s2, s17  }
0x8e: {  	[smem:$0x3FBA] =	sst s2  }
0x8f: {  	_ = 	snop  }
0x90: {  	s2 =	sld [smem:$0x3FD0];
	(tm) =	ssettm $0x1  }
0x91: {  	s18 =	sld [smem:$0x3FFB];
	_ =	sdelay $0x3  }
0x92: {  	_ =	strace s18  }
0x93: {  	s3 =	sld [smem:$0x3FFC];
	_ =	sdelay $0x3  }
0x94: {  	_ =	strace s3  }
0x95: {  	s3 =	sld [smem:$0x3FFD];
	_ =	sdelay $0x3  }
0x96: {  	_ =	strace s3  }
0x97: {  	_ =	strace $0x8FFFFFFF  }
0x98: {  	s19 =	sld [smem:$0x3FDB];
	_ =	sdelay $0x1  }
0x99: {  	s4 =	simm.s32 $_scs_section_size  }
0x9a: {  	s5 =	simm.s32 $_size__tile_overlayer_lowered;
	s6 =	simm.s32 $_tile_overlayer_lowered  }
0x9b: {  	s22 =	simm.s32 $0x1BFF;
	s21 =	sshll.u32 s6, $0x1;
	s3 =	sadd.s32 s4, s19  }
0x9c: {  	s7 =	simm.s32 $0x0;
	s20 =	sshll.u32 s5, $0x1;
	s5 =	sadd.s32 s21, s3  }
0x9d: {  	[timem:s7], [sflag:s22] =	dma.local [hbm:s5], s20  }
0x9e: {  	_ =	swait.ge [sflag:s22], s20  }
0x9f: {  	s4 =	ssub.s32 $0x0, s20;
	[sflag:s22] =	ssyncset.done $0x0  }
0xa0: {  	[sflag:s22] =	ssyncadd.s32 s4;
	_ =	sdelay $0x1  }
0xa1: {  	s23 =	simm.s32 $0x1B8B  }
0xa2: {  	_ =	swait.ge [sflag:s23], $0x1  }
0xa3: {  	[sflag:s23] =	ssyncset.done $0x0  }
0xa4: {  	s25 =	simm.s32 $0x1B8E;
	s24 =	sld [smem:$0x3FFE];
	[sflag:s23] =	ssyncadd.s32 $0xFFFFFFFF  }
0xa5: {  	s26 =	simm.s32 $execute0_lowered;
	[smem:$0x3FD2] =	sst s25  }
0xa6: {  	s5 =	sshll.u32 s26, $0x1;
	_ =	strace $0x80000049;
	[dreg:$0x1] =	wrdreg $0xFFFFFFFF  }
0xa7: {  	s28 =	simm.s32 $_size_execute0_lowered;
	s3 =	sadd.s32 s3, s5;
	[dreg:$0x0] =	wrdreg $0x0  }
0xa8: {  	s5 =	sshll.u32 s28, $0x1;
	[dreg:$0x2] =	wrdreg s3  }
0xa9: {  	[dreg:$0x3] =	wrdreg s5  }
0xaa: {  	[dreg:$0x4] =	wrdreg $0xC0  }
0xab: {  	_ =	task [dreg:s7], $0x5FFFF  }
0xac: {  	[dreg:$0x1] =	wrdreg $0xFFFFFFFF  }
0xad: {  	[dreg:$0x0] =	wrdreg $0x60  }
0xae: {  	[dreg:$0x2] =	wrdreg s24  }
0xaf: {  	[dreg:$0x3] =	wrdreg s2  }
0xb0: {  	[dreg:$0x4] =	wrdreg $0x0  }
0xb1: {  	[dreg:$0x5] =	wrdreg $0x9  }
0xb2: {  	_ =	task.clear_ibuf [dreg:s7], $0x6FFFF;
	_ =	strace $0x90000049  }
0xb3: {  	s29 =	simm.s32 $0x9;
	_ =	strace $0x8000004B  }
0xb4: {  	_ =	swait.ge [sflag:s29], $0x1  }
0xb5: {  	[sflag:s29] =	ssyncadd.s32 $0xFFFFFFFF  }
0xb6: {  	_ =	strace $0x9000004B  }
0xb7: {  	_ =	sfence  }
0xb8: {  	s30 =	sld [smem:$0x0];
	_ =	sdelay $0x2  }
0xb9: {  	s31 =	sshll.u32 s1, $0xD;
	s1 =	sshrl.u32 s1, $0x2  }
0xba: {  	s3 =	sand.u32 $0x4000, s31;
	s1 =	sadd.s32 s1, s30  }
0xbb: {  	s0 =	sor.u32 s3, s0;
	s1 =	sshll.u32 s1, $0x11  }
0xbc: {  	s0 =	sor.u32 s1, s0  }
0xbd: {  	s0 =	sadd.s32 $0x8F2B, s0  }
0xbe: {  	[sflag:s0] =	ssyncadd.remote.s32 $0x1  }
0xbf: {  	_ =	sfence.sel $0xFFFF  }
0xc0: {  	[dreg:$0x0] =	wrdreg $0xFFFFFFFF;
	(pc) =	sbr.abs _section_cstart, $3  }
0xc1: {  	[dreg:$0x1] =	wrdreg $0xFFFFFFFF  }
0xc2: {  	_ =	task.clear_ibuf [dreg:s7], $0x2FFFF;
	_ =	strace $0x9FFFFFFF  }
0xc3: {  	(tm) =	ssettm $0x7FFFFFFF  }
tec
execute0_lowered:
.L_overlay_start_1:
0x0: {  	(tag) =	ssettag $0x1  }
0x1: {  	s8 =	rddreg [dreg:$0x0]  }
0x2: {  	s2 =	rddreg [dreg:$0x1]  }
0x3: {  	s3 =	rddreg [dreg:$0x2]  }
0x4: {  	s0 =	rddreg [dreg:$0x3];
	s4 =	simm.s32 $0x0;
	s1 =	stileid.u32  }
0x5: {  	s5 =	srdreg.scid;
	s15 =	simm.s32 $0xC580;
	s16 =	simm.s32 $0xC600  }
0x6: {  	s17 =	simm.s32 $0x80;
	s18 =	simm.s32 $0xC680;
	s19 =	simm.s32 $0xEE80  }
0x7: {  	s20 =	simm.s32 $0x1;
	s21 =	simm.s32 $0x2;
	s22 =	simm.s32 $0x0  }
0x8: {  	[smem:$0x7FF] =	sst s4;
	s9 =	smul.u32 $0xC580, s1;
	s10 =	sand.u32 $0x1, s5  }
0x9: {  	s5 =	sadd.s32 $0x5C00, s8;
	s6 =	sadd.s32 $0xC00, s8;
	s7 =	sadd.s32 $0x1E400, s8  }
0xa: {  	s31 =	sshll.u32 s1, $0x6;
	_ =	strace $0x8000004A;
	s11 =	smul.u32 $0xC5800, s10  }
0xb: {  	s13 =	ssub.s32 $0x2, s10;
	s29 =	sshll.u32 s10, $0x4;
	s12 =	sshrl.u32 s9, $0x3  }
0xc: {  	s14 =	sshrl.u32 s13, $0x1;
	s10 =	sor.u32 s1, s29;
	s30 =	sadd.s32 s9, s3  }
0xd: {  	s11 =	sadd.s32 s9, s11;
	s12 =	sadd.s32 s12, s8;
	s13 =	ssub.s32 s13, s14  }
0xe: {  	s9 =	sor.u32 $0x1C03, s31;
	s10 =	smul.u32 $0x2880, s10;
	s11 =	sshrl.u32 s11, $0x3  }
0xf: {  	s14 =	simm.s32 $0x3;
	s11 =	sadd.s32 s11, s8;
	s8 =	sadd.s32 $0x28600, s12  }
0x10: {  	s12 =	smax.u32 s13, $0x1;
	s13 =	sshrl.u32 s30, $0x3;
	s11 =	sadd.s32 $0x41200, s11  }
.LBB2_1:
0x11: {  	[spmem:s13], [sflag:s9] =	dma.local [hbm:s8], $0x18B0  }
0x12: {  	_ =	swait.ge [sflag:s14], $0x18B0  }
0x13: {  	[sflag:s14] =	ssyncset.done $0x0  }
0x14: {  	[sflag:s14] =	ssyncadd.s32 $0xFFFFE750  }
0x15: {  	s23 =	simm.s32 $0x0;
	[bflag:$0x0] =	sbarrier.arrive $0xFFFF  }
.LBB2_2:
0x16: {  	s24 =	sshll.u32 s23, $0x7  }
0x17: {  	s24 =	sadd.s32 s10, s24  }
0x18: {  	s24 =	sshrl.u32 s24, $0x3  }
0x19: {  	s25 =	sadd.s32 s2, s24  }
0x1a: {  	[tilespmem:s15], [sflag:$0x3] =	stream.linear.gather [hbm4b:s25+s4], $0x80, $0x38;
	[tilespmem:$0xF680] =	vst v63  }
0x1b: {  	_ =	swait.ge [sflag:s14], $0x80  }
0x1c: {  	[sflag:s14] =	ssyncset.done $0x0  }
0x1d: {  	s24 =	sadd.s32 s7, s24;
	[sflag:s14] =	ssyncadd.s32 $0xFFFFFF80  }
0x1e: {  	[tilespmem:s16], [sflag:$0x3] =	stream.linear.gather [hbm4b:s24+s4], $0x80, $0x38;
	[tilespmem:$0xF680] =	vst v63  }
0x1f: {  	_ =	swait.ge [sflag:s14], $0x80  }
0x20: {  	[sflag:s14] =	ssyncset.done $0x0  }
0x21: {  	[sflag:s14] =	ssyncadd.s32 $0xFFFFFF80  }
0x22: {  	[tilespmem:s18], [sflag:$0x1] =	stream.indirect.gather [hbm4b:s5+s17], $0x50, s15, s17, $0xb8;
	[tilespmem:$0xF680] =	vst v63  }
0x23: {  	_ = 	snop  }
0x24: {  	[tilespmem:s19], [sflag:$0x2] =	stream.indirect.gather [hbm4b:s6+s17], $0x10, s16, s17, $0xb8;
	[tilespmem:$0xF680] =	vst v63  }
0x25: {  	_ =	swait.ge [sflag:s20], $0x2800  }
0x26: {  	[sflag:s20] =	ssyncset.done $0x0  }
0x27: {  	[sflag:s20] =	ssyncadd.s32 $0xFFFFD800  }
0x28: {  	_ =	swait.ge [sflag:s21], $0x800  }
0x29: {  	[sflag:s21] =	ssyncset.done $0x0  }
0x2a: {  	s24 =	simm.s32 $0xC6D0;
	[sflag:s21] =	ssyncadd.s32 $0xFFFFF800  }
0x2b: {  	s25 =	simm.s32 $0xEE90;
	v0 =	vld [tilespmem:s24+$0xFFFFFFE8]  }
0x2c: {  	v1 =	vld [tilespmem:s25+$0xFFFFFFF0];
	_ =	sdelay $0x4  }
0x2d: {  	v0 =	vadd.f32 v1, v0;
	_ =	sdelay $0x1  }
0x2e: {  	v1 =	vmul.f32 $2.000000030e-01, v0;
	_ =	sdelay $0x1  }
0x2f: {  	v0 =	vmax.f32 v0, v1  }
0x30: {  	v0 =	vmul.f32 $1.442695020e+00, v0;
	_ =	sdelay $0x1  }
0x31: {  	(erf) = vpow2.f32 v0;
	_ =	sdelay $0x6  }
0x32: {  	v0 =	vld [tilespmem:s24+$0xFFFFFFE0]  }
0x33: {  	v1 =	vld [tilespmem:s24+$0xFFFFFFC0]  }
0x34: {  	v2 =	vld [tilespmem:s24+$0xFFFFFFB0];
	v3 =	vpop (erf)  }
0x35: {  	v4 =	vld [tilespmem:s24+$0xFFFFFFD0];
	v5 =	vbroadcast v3, $0xB  }
0x36: {  	v6 =	vbroadcast v3, $0x9  }
0x37: {  	v7 =	vbroadcast v3, $0x8;
	v0 =	vmul.f32 v0, v5  }
0x38: {  	[tilespmem:s24+$0xFFFFFFF0] =	vst v3;
	v3 =	vbroadcast v3, $0xA;
	v1 =	vmul.f32 v6, v1  }
0x39: {  	v2 =	vmul.f32 v7, v2;
	[tilespmem:s24+$0xFFFFFFE0] =	vst v0  }
0x3a: {  	v0 =	vmul.f32 v3, v4;
	[tilespmem:s24+$0xFFFFFFC0] =	vst v1  }
0x3b: {  	[tilespmem:s24+$0xFFFFFFB0] =	vst v2  }
0x3c: {  	[tilespmem:s24+$0xFFFFFFD0] =	vst v0;
	v0 =	vld [tilespmem:s24+$0x38]  }
0x3d: {  	v1 =	vld [tilespmem:s25+$0x0];
	_ =	sdelay $0x4  }
0x3e: {  	v0 =	vadd.f32 v1, v0;
	_ =	sdelay $0x1  }
0x3f: {  	v1 =	vmul.f32 $2.000000030e-01, v0;
	_ =	sdelay $0x1  }
0x40: {  	v0 =	vmax.f32 v0, v1  }
0x41: {  	v0 =	vmul.f32 $1.442695020e+00, v0;
	_ =	sdelay $0x1  }
0x42: {  	(erf) = vpow2.f32 v0;
	_ =	sdelay $0x4  }
0x43: {  	v2 =	vld [tilespmem:s24+$0x10]  }
0x44: {  	v3 =	vld [tilespmem:s24+$0x0]  }
0x45: {  	v1 =	vld [tilespmem:s24+$0x20]  }
0x46: {  	v0 =	vld [tilespmem:s24+$0x30]  }
0x47: {  	v4 =	vpop (erf)  }
0x48: {  	s28 =	simm.s32 $0x0;
	s26 =	simm.s32 $0xC6D0;
	v6 =	vbroadcast v4, $0x8;
	v5 =	vbroadcast v4, $0x9;
	[tilespmem:s24+$0x40] =	vst v4  }
.LBB2_3:
0x49: {  	s28 =	sadd.s32 $0x2, s28;
	v7 =	vbroadcast v4, $0xA;
	v4 =	vbroadcast v4, $0xB;
	s25 =	sadd.s32 $0x20, s25;
	s24 =	sadd.s32 $0xA0, s24  }
0x4a: {  	p0 =	slt.u32 s28, $0x7E;
	v3 =	vmul.f32 v6, v3;
	v2 =	vmul.f32 v5, v2  }
0x4b: {  	v1 =	vmul.f32 v7, v1;
	v0 =	vmul.f32 v0, v4  }
0x4c: {  	[tilespmem:s26+$0x0] =	vst v3  }
0x4d: {  	[tilespmem:s26+$0x10] =	vst v2  }
0x4e: {  	[tilespmem:s26+$0x30] =	vst v0  }
0x4f: {  	v0 =	vld [tilespmem:s24+$0xFFFFFFE8];
	[tilespmem:s26+$0x20] =	vst v1;
	s26 =	smov.u32 s24  }
0x50: {  	v1 =	vld [tilespmem:s25+$0xFFFFFFF0];
	_ =	sdelay $0x4  }
0x51: {  	v0 =	vadd.f32 v1, v0;
	_ =	sdelay $0x1  }
0x52: {  	v1 =	vmul.f32 $2.000000030e-01, v0;
	_ =	sdelay $0x1  }
0x53: {  	v0 =	vmax.f32 v0, v1  }
0x54: {  	v0 =	vmul.f32 $1.442695020e+00, v0;
	_ =	sdelay $0x1  }
0x55: {  	(erf) = vpow2.f32 v0;
	_ =	sdelay $0x4  }
0x56: {  	v0 =	vld [tilespmem:s24+$0xFFFFFFD0]  }
0x57: {  	v1 =	vld [tilespmem:s24+$0xFFFFFFE0]  }
0x58: {  	v2 =	vld [tilespmem:s24+$0xFFFFFFC0]  }
0x59: {  	v3 =	vld [tilespmem:s24+$0xFFFFFFB0]  }
0x5a: {  	v4 =	vpop (erf)  }
0x5b: {  	v5 =	vbroadcast v4, $0x9;
	v6 =	vbroadcast v4, $0xB;
	[tilespmem:s24+$0xFFFFFFF0] =	vst v4  }
0x5c: {  	v7 =	vbroadcast v4, $0x8;
	v4 =	vbroadcast v4, $0xA  }
0x5d: {  	v2 =	vmul.f32 v5, v2;
	v1 =	vmul.f32 v1, v6  }
0x5e: {  	v0 =	vmul.f32 v4, v0;
	v3 =	vmul.f32 v7, v3  }
0x5f: {  	[tilespmem:s24+$0xFFFFFFE0] =	vst v1  }
0x60: {  	[tilespmem:s24+$0xFFFFFFC0] =	vst v2  }
0x61: {  	[tilespmem:s24+$0xFFFFFFB0] =	vst v3  }
0x62: {  	[tilespmem:s24+$0xFFFFFFD0] =	vst v0;
	v0 =	vld [tilespmem:s24+$0x38]  }
0x63: {  	v1 =	vld [tilespmem:s25+$0x0];
	_ =	sdelay $0x4  }
0x64: {  	v0 =	vadd.f32 v1, v0;
	_ =	sdelay $0x1  }
0x65: {  	v1 =	vmul.f32 $2.000000030e-01, v0;
	_ =	sdelay $0x1  }
0x66: {  	v0 =	vmax.f32 v0, v1  }
0x67: {  	v0 =	vmul.f32 $1.442695020e+00, v0;
	_ =	sdelay $0x1  }
0x68: {  	(erf) = vpow2.f32 v0;
	_ =	sdelay $0x4  }
0x69: {  	v3 =	vld [tilespmem:s24+$0x0]  }
.Ltmp0:
0x6a: {  	v0 =	vld [tilespmem:s24+$0x30];
	(pc) =	sbr.rel @p0 .LBB2_3-.Ltmp0, $4  }
0x6b: {  	v2 =	vld [tilespmem:s24+$0x10]  }
0x6c: {  	v1 =	vld [tilespmem:s24+$0x20]  }
0x6d: {  	v4 =	vpop (erf)  }
0x6e: {  	v6 =	vbroadcast v4, $0x8;
	v5 =	vbroadcast v4, $0x9;
	[tilespmem:s24+$0x40] =	vst v4  }
0x6f: {  	_ = 	snop  }
0x70: {  	v7 =	vbroadcast v4, $0xB;
	v3 =	vmul.f32 v6, v3  }
0x71: {  	v63 =	vbroadcast v4, $0xA;
	v2 =	vmul.f32 v5, v2  }
0x72: {  	v0 =	vmul.f32 v0, v7;
	[tilespmem:s26+$0x0] =	vst v3  }
0x73: {  	s23 =	sadd.s32 $0x1, s23;
	v1 =	vmul.f32 v63, v1;
	[tilespmem:s26+$0x10] =	vst v2  }
0x74: {  	p0 =	sne.s32 s23, $0x51;
	[tilespmem:s26+$0x30] =	vst v0  }
.Ltmp1:
0x75: {  	[tilespmem:s26+$0x20] =	vst v1;
	(pc) =	sbr.rel @p0 .LBB2_2-.Ltmp1, $4  }
0x76: {  	[spmem:s3] =	stream.indirect.scatter.add.f32 [tilespmem:s18], [sflag:$0x3], $0x50, s16, s17, $0xb8;
	[tilespmem:$0xF680] =	vst v63  }
0x77: {  	_ =	swait.ge [sflag:s14], $0x2800  }
0x78: {  	[sflag:s14] =	ssyncset.done $0x0  }
0x79: {  	[sflag:s14] =	ssyncadd.s32 $0xFFFFD800  }
0x7a: {  	s22 =	sadd.s32 $0x1, s22  }
0x7b: {  	p0 =	sne.s32 s22, s12  }
.Ltmp2:
0x7c: {  	[bflag:$0x0] =	sbarrier.arrive $0xFFFF;
	(pc) =	sbr.rel @p0 .LBB2_1-.Ltmp2, $4  }
0x7d: {  	[hbm:s11], [sflag:s9] =	dma.local [spmem:s13], $0x18B0  }
0x7e: {  	_ =	swait.ge [sflag:s14], $0x18B0  }
0x7f: {  	[sflag:s14] =	ssyncset.done $0x0  }
0x80: {  	[sflag:s14] =	ssyncadd.s32 $0xFFFFE750  }
0x81: {  	_ =	sfence.sel $0x180000  }
0x82: {  	[bflag:$0x0] =	sbarrier.arrive $0xFFFF  }
0x83: {  	p0 =	sne.s32 s1, $0x0;
	_ =	strace $0x9000004A  }
0x84: {  	s0 =	sadd.s32 @!p0 $0x100000, s0;
	[bflag:$0x2] =	sbarrier.arrive $0xFFFF  }
0x85: {  	[sflag:s0] =	ssyncadd.tile.s32 @!p0 $0x1;
	_ =	shalt  }
.Lfunc_end2:
_tile_overlayer_lowered:
.L_overlay_start_2:
0x86: {  	(tag) =	ssettag $0x2  }
0x87: {  	s0 =	rddreg [dreg:$0x0];
	s2 =	stileid.u32  }
0x88: {  	s1 =	rddreg [dreg:$0x1];
	p0 =	sne.s32 s2, $0x0  }
0x89: {  	s3 =	rddreg [dreg:$0x2];
	[bflag:$0x3] =	sbarrier.arrive $0xFFFF;
	s2 =	simm.s32 @!p0 $0x1C03  }
0x8a: {  	[timem:s3], [sflag:s2] =	dma.local @!p0 [hbm:s0], s1  }
0x8b: {  	s0 =	simm.s32 @!p0 $0x3  }
0x8c: {  	_ =	swait.ge @!p0 [sflag:s0], s1  }
0x8d: {  	s1 =	ssub.s32 @!p0 $0x0, s1;
	[sflag:s0] =	ssyncset.done @!p0 $0x0  }
0x8e: {  	[sflag:s0] =	ssyncadd.s32 @!p0 s1  }
0x8f: {  	[bflag:$0x3] =	sbarrier.arrive $0xFFFF  }
0x90: {  	_ =	shalt  }

// kernel: kernel.7.cloned.1.call-start
scs
__scs_entry_jumppad:
0x0: {  	(pc) =	sbr.rel $0x88, $3  }
0x1: {  	(tag) =	ssettag $0x0;
	lr =	simm.s32 $0x1  }
0x2: {  	[smem:$0x3F93] =	sst lr;
	_ =	strace $0xD0000000  }
0x3: {  	_ = 	snop  }
0x4: {  	_ = 	snop  }
0x5: {  	_ = 	snop  }
0x6: {  	_ = 	snop  }
0x7: {  	_ = 	snop  }
__scs_overlays_trampoline_lowered:
0x8: {  	[smem:$0x3FA2] =	sst s0  }
0x9: {  	[smem:$0x3FA3] =	sst s1  }
0xa: {  	[smem:$0x3FA4] =	sst s2  }
0xb: {  	[smem:$0x3FA5] =	sst s3  }
0xc: {  	[smem:$0x3FA6] =	sst s4  }
0xd: {  	[smem:$0x3FA7] =	sst s5  }
0xe: {  	[smem:$0x3FA8] =	sst s6  }
0xf: {  	[smem:$0x3FA9] =	sst s7  }
0x10: {  	[smem:$0x3FAA] =	sst s8  }
0x11: {  	[smem:$0x3FAB] =	sst s9;
	s0 =	simm.s32 @!p0 $0x0  }
0x12: {  	s1 =	sld [smem:$0x3F91];
	s0 =	simm.s32 @p0 $0x1  }
0x13: {  	[smem:$0x3FAC] =	sst s0;
	s0 =	simm.s32 @!p1 $0x0  }
0x14: {  	s2 =	sld [smem:$0x3F90];
	s0 =	simm.s32 @p1 $0x1  }
0x15: {  	[smem:$0x3FAD] =	sst s0;
	s0 =	simm.s32 @!p2 $0x0  }
0x16: {  	s3 =	sld [smem:$0x3FDB];
	s0 =	simm.s32 @p2 $0x1  }
0x17: {  	s4 =	simm.s32 $0x1BF5;
	[smem:$0x3FAF] =	sst s0  }
0x18: {  	s0 =	sld [smem:$0x3F92];
	_ =	swait.ge [sflag:s4], $0x0  }
0x19: {  	s7 =	sld [smem:$0x3F93]  }
0x1a: {  	s8 =	sadd.s32 $0xFFFFE003, lr  }
0x1b: {  	s9 =	sadd.s32 $0xFFFFFEF7, lr;
	s5 =	simm.s32 $0xFFFFFFFF;
	p2 =	slt.u32 s8, $0xFFFFF086  }
0x1c: {  	p1 =	slt.u32 s9, $0xF7A;
	s5 =	simm.s32 @!p2 $0x0  }
0x1d: {  	s5 =	simm.s32 @p1 $0x1;
	p0 =	seq.s32 s7, s2  }
0x1e: {  	s7 =	smul.u32 @!p0 $0xF7A, s2;
	p2 =	seq.s32 @!p0 s5, $0x0  }
0x1f: {  	s9 =	smul.u32 $0xF7A, s1;
	s8 =	simm.s32 @!p0 $0x1BF5;
	p2 =	por !p2, p0  }
0x20: {  	[sflag:s8] =	ssyncset.s32 @!p0 $0xFFFFF086;
	s6 =	sadd.s32 @!p0 s3, s7;
	s7 =	simm.s32 @!p0 $0x108  }
0x21: {  	s3 =	sadd.s32 s3, s9;
	s6 =	sadd.s32 @!p0 $0x88, s6;
	s7 =	simm.s32 @p2 $0x1082  }
0x22: {  	[simem:s7], [sflag:s8] =	dma.local @!p0 [hbm:s6], $0xF7A  }
0x23: {  	s9 =	sor.u32 $0xD0000000, s2;
	s6 =	simm.s32 $0x108;
	_ =	swait.ge @!p0 [sflag:s8], $0x0  }
0x24: {  	s3 =	sadd.s32 $0x88, s3;
	s6 =	simm.s32 @!p1 $0x1082;
	[sflag:s4] =	ssyncset.s32 $0xFFFFF086  }
0x25: {  	[simem:s6], [sflag:s4] =	dma.local [hbm:s3], $0xF7A  }
0x26: {  	[smem:$0x3F93] =	sst s1;
	(tag) =	ssettag s2;
	_ =	strace s9  }
0x27: {  	s1 =	sld [smem:$0x3FA3]  }
0x28: {  	s2 =	sld [smem:$0x3FA4]  }
0x29: {  	s4 =	sld [smem:$0x3FA6]  }
0x2a: {  	p0 =	seq.s32 s5, $0x0;
	s5 =	sld [smem:$0x3FA7]  }
0x2b: {  	s6 =	sld [smem:$0x3FA8]  }
0x2c: {  	s7 =	sld [smem:$0x3FA9]  }
0x2d: {  	s3 =	simm.s32 $0x108;
	s8 =	sld [smem:$0x3FAA]  }
0x2e: {  	s3 =	simm.s32 @!p0 $0x1082;
	s9 =	sld [smem:$0x3FAB]  }
0x2f: {  	lr =	sadd.s32 s0, s3;
	s0 =	sld [smem:$0x3FA2]  }
0x30: {  	s3 =	sld [smem:$0x3FA5]  }
0x31: {  	[smem:$0x3FAE] =	sst s10  }
0x32: {  	s10 =	sld [smem:$0x3FAC];
	_ =	sdelay $0x3  }
0x33: {  	p0 =	seq.s32 s10, $0x1;
	s10 =	sld [smem:$0x3FAE];
	_ =	sdelay $0x3  }
0x34: {  	[smem:$0x3FAE] =	sst s10  }
0x35: {  	s10 =	sld [smem:$0x3FAD];
	_ =	sdelay $0x3  }
0x36: {  	p1 =	seq.s32 s10, $0x1;
	s10 =	sld [smem:$0x3FAE];
	_ =	sdelay $0x3  }
0x37: {  	[smem:$0x3FAE] =	sst s10  }
0x38: {  	s10 =	sld [smem:$0x3FAF]  }
0x39: {  	_ = 	snop;
	(pc) =	sbr.ind lr, $3  }
0x3a: {  	_ = 	snop  }
0x3b: {  	_ = 	snop  }
0x3c: {  	p2 =	seq.s32 s10, $0x1;
	s10 =	sld [smem:$0x3FAE]  }
0x3d: {  	_ =	shalt  }
0x3e: {  	_ =	shalt  }
0x3f: {  	_ =	shalt  }
0x40: {  	_ =	shalt  }
0x41: {  	_ =	shalt  }
0x42: {  	_ =	shalt  }
0x43: {  	_ =	shalt  }
0x44: {  	_ =	shalt  }
0x45: {  	_ =	shalt  }
0x46: {  	_ =	shalt  }
0x47: {  	_ =	shalt  }
0x48: {  	_ =	shalt  }
0x49: {  	_ =	shalt  }
0x4a: {  	_ =	shalt  }
0x4b: {  	_ =	shalt  }
0x4c: {  	_ =	shalt  }
0x4d: {  	_ =	shalt  }
0x4e: {  	_ =	shalt  }
0x4f: {  	_ =	shalt  }
0x50: {  	_ =	shalt  }
0x51: {  	_ =	shalt  }
0x52: {  	_ =	shalt  }
0x53: {  	_ =	shalt  }
0x54: {  	_ =	shalt  }
0x55: {  	_ =	shalt  }
0x56: {  	_ =	shalt  }
0x57: {  	_ =	shalt  }
0x58: {  	_ =	shalt  }
0x59: {  	_ =	shalt  }
0x5a: {  	_ =	shalt  }
0x5b: {  	_ =	shalt  }
0x5c: {  	_ =	shalt  }
0x5d: {  	_ =	shalt  }
0x5e: {  	_ =	shalt  }
0x5f: {  	_ =	shalt  }
0x60: {  	_ =	shalt  }
0x61: {  	_ =	shalt  }
0x62: {  	_ =	shalt  }
0x63: {  	_ =	shalt  }
0x64: {  	_ =	shalt  }
0x65: {  	_ =	shalt  }
0x66: {  	_ =	shalt  }
0x67: {  	_ =	shalt  }
0x68: {  	_ =	shalt  }
0x69: {  	_ =	shalt  }
0x6a: {  	_ =	shalt  }
0x6b: {  	_ =	shalt  }
0x6c: {  	_ =	shalt  }
0x6d: {  	_ =	shalt  }
0x6e: {  	_ =	shalt  }
0x6f: {  	_ =	shalt  }
0x70: {  	_ =	shalt  }
0x71: {  	_ =	shalt  }
0x72: {  	_ =	shalt  }
0x73: {  	_ =	shalt  }
0x74: {  	_ =	shalt  }
0x75: {  	_ =	shalt  }
0x76: {  	_ =	shalt  }
0x77: {  	_ =	shalt  }
0x78: {  	_ =	shalt  }
0x79: {  	_ =	shalt  }
0x7a: {  	_ =	shalt  }
0x7b: {  	_ =	shalt  }
0x7c: {  	_ =	shalt  }
0x7d: {  	_ =	shalt  }
0x7e: {  	_ =	shalt  }
0x7f: {  	_ =	shalt  }
0x80: {  	_ =	shalt  }
0x81: {  	_ =	shalt  }
0x82: {  	_ =	shalt  }
0x83: {  	_ =	shalt  }
0x84: {  	_ =	shalt  }
0x85: {  	_ =	shalt  }
0x86: {  	_ =	shalt  }
0x87: {  	_ =	shalt  }
.Lfunc_end0:
.L_simem_size_0:
called_computation_lowered:
.L_overlay_start_0:
0x88: {  	s2 =	sld [smem:$0x3FD9]  }
0x89: {  	s3 =	sld [smem:$0x3FFE];
	_ =	sdelay $0x1  }
0x8a: {  	s1 =	srdreg.scid  }
0x8b: {  	s0 =	sand.u32 $0x1, s1  }
0x8c: {  	s17 =	sshll.u32 s0, $0xA;
	s2 =	sadd.s32 s3, s2  }
0x8d: {  	s2 =	sadd.s32 s2, s17  }
0x8e: {  	[smem:$0x3FBA] =	sst s2  }
0x8f: {  	_ = 	snop  }
0x90: {  	s2 =	sld [smem:$0x3FD0];
	(tm) =	ssettm $0x1  }
0x91: {  	s18 =	sld [smem:$0x3FFB];
	_ =	sdelay $0x3  }
0x92: {  	_ =	strace s18  }
0x93: {  	s3 =	sld [smem:$0x3FFC];
	_ =	sdelay $0x3  }
0x94: {  	_ =	strace s3  }
0x95: {  	s3 =	sld [smem:$0x3FFD];
	_ =	sdelay $0x3  }
0x96: {  	_ =	strace s3  }
0x97: {  	_ =	strace $0x8FFFFFFF  }
0x98: {  	s19 =	sld [smem:$0x3FDB];
	_ =	sdelay $0x1  }
0x99: {  	s4 =	simm.s32 $_scs_section_size  }
0x9a: {  	s5 =	simm.s32 $_size__tile_overlayer_lowered;
	s6 =	simm.s32 $_tile_overlayer_lowered  }
0x9b: {  	s22 =	simm.s32 $0x1BFF;
	s21 =	sshll.u32 s6, $0x1;
	s3 =	sadd.s32 s4, s19  }
0x9c: {  	s7 =	simm.s32 $0x0;
	s20 =	sshll.u32 s5, $0x1;
	s5 =	sadd.s32 s21, s3  }
0x9d: {  	[timem:s7], [sflag:s22] =	dma.local [hbm:s5], s20  }
0x9e: {  	_ =	swait.ge [sflag:s22], s20  }
0x9f: {  	s4 =	ssub.s32 $0x0, s20;
	[sflag:s22] =	ssyncset.done $0x0  }
0xa0: {  	[sflag:s22] =	ssyncadd.s32 s4;
	_ =	sdelay $0x1  }
0xa1: {  	s23 =	simm.s32 $0x1B8B  }
0xa2: {  	_ =	swait.ge [sflag:s23], $0x1  }
0xa3: {  	[sflag:s23] =	ssyncset.done $0x0  }
0xa4: {  	s25 =	simm.s32 $0x1B8E;
	s24 =	sld [smem:$0x3FFE];
	[sflag:s23] =	ssyncadd.s32 $0xFFFFFFFF  }
0xa5: {  	s26 =	simm.s32 $execute0_lowered;
	[smem:$0x3FD2] =	sst s25  }
0xa6: {  	s5 =	sshll.u32 s26, $0x1;
	_ =	strace $0x80000046;
	[dreg:$0x1] =	wrdreg $0xFFFFFFFF  }
0xa7: {  	s28 =	simm.s32 $_size_execute0_lowered;
	s3 =	sadd.s32 s3, s5;
	[dreg:$0x0] =	wrdreg $0x0  }
0xa8: {  	s5 =	sshll.u32 s28, $0x1;
	[dreg:$0x2] =	wrdreg s3  }
0xa9: {  	[dreg:$0x3] =	wrdreg s5  }
0xaa: {  	[dreg:$0x4] =	wrdreg $0xC0  }
0xab: {  	_ =	task [dreg:s7], $0x5FFFF  }
0xac: {  	[dreg:$0x1] =	wrdreg $0xFFFFFFFF  }
0xad: {  	[dreg:$0x0] =	wrdreg $0x60  }
0xae: {  	[dreg:$0x2] =	wrdreg s24  }
0xaf: {  	[dreg:$0x3] =	wrdreg s2  }
0xb0: {  	[dreg:$0x4] =	wrdreg $0x0  }
0xb1: {  	[dreg:$0x5] =	wrdreg $0x9  }
0xb2: {  	_ =	task.clear_ibuf [dreg:s7], $0x6FFFF;
	_ =	strace $0x90000046  }
0xb3: {  	s29 =	simm.s32 $0x9;
	_ =	strace $0x80000048  }
0xb4: {  	_ =	swait.ge [sflag:s29], $0x1  }
0xb5: {  	[sflag:s29] =	ssyncadd.s32 $0xFFFFFFFF  }
0xb6: {  	_ =	strace $0x90000048  }
0xb7: {  	_ =	sfence  }
0xb8: {  	s30 =	sld [smem:$0x0];
	_ =	sdelay $0x2  }
0xb9: {  	s31 =	sshll.u32 s1, $0xD;
	s1 =	sshrl.u32 s1, $0x2  }
0xba: {  	s3 =	sand.u32 $0x4000, s31;
	s1 =	sadd.s32 s1, s30  }
0xbb: {  	s0 =	sor.u32 s3, s0;
	s1 =	sshll.u32 s1, $0x11  }
0xbc: {  	s0 =	sor.u32 s1, s0  }
0xbd: {  	s0 =	sadd.s32 $0x8F2B, s0  }
0xbe: {  	[sflag:s0] =	ssyncadd.remote.s32 $0x1  }
0xbf: {  	_ =	sfence.sel $0xFFFF  }
0xc0: {  	[dreg:$0x0] =	wrdreg $0xFFFFFFFF;
	(pc) =	sbr.abs _section_cstart, $3  }
0xc1: {  	[dreg:$0x1] =	wrdreg $0xFFFFFFFF  }
0xc2: {  	_ =	task.clear_ibuf [dreg:s7], $0x2FFFF;
	_ =	strace $0x9FFFFFFF  }
0xc3: {  	(tm) =	ssettm $0x7FFFFFFF  }
tec
execute0_lowered:
.L_overlay_start_1:
0x0: {  	(tag) =	ssettag $0x1  }
0x1: {  	s8 =	rddreg [dreg:$0x0]  }
0x2: {  	s2 =	rddreg [dreg:$0x1]  }
0x3: {  	s3 =	rddreg [dreg:$0x2]  }
0x4: {  	s0 =	rddreg [dreg:$0x3];
	s4 =	simm.s32 $0x0;
	s1 =	stileid.u32  }
0x5: {  	s5 =	srdreg.scid;
	s15 =	simm.s32 $0xC580;
	s16 =	simm.s32 $0xC600  }
0x6: {  	s17 =	simm.s32 $0x80;
	s18 =	simm.s32 $0xC680;
	s19 =	simm.s32 $0xEE80  }
0x7: {  	s20 =	simm.s32 $0x1;
	s21 =	simm.s32 $0x2;
	s22 =	simm.s32 $0x0  }
0x8: {  	[smem:$0x7FF] =	sst s4;
	s9 =	smul.u32 $0xC580, s1;
	s10 =	sand.u32 $0x1, s5  }
0x9: {  	s5 =	sadd.s32 $0x5C00, s8;
	s6 =	sadd.s32 $0xC00, s8;
	s7 =	sadd.s32 $0x1E400, s8  }
0xa: {  	s31 =	sshll.u32 s1, $0x6;
	_ =	strace $0x80000047;
	s11 =	smul.u32 $0xC5800, s10  }
0xb: {  	s13 =	ssub.s32 $0x2, s10;
	s29 =	sshll.u32 s10, $0x4;
	s12 =	sshrl.u32 s9, $0x3  }
0xc: {  	s14 =	sshrl.u32 s13, $0x1;
	s10 =	sor.u32 s1, s29;
	s30 =	sadd.s32 s9, s3  }
0xd: {  	s11 =	sadd.s32 s9, s11;
	s12 =	sadd.s32 s12, s8;
	s13 =	ssub.s32 s13, s14  }
0xe: {  	s9 =	sor.u32 $0x1C03, s31;
	s10 =	smul.u32 $0x2880, s10;
	s11 =	sshrl.u32 s11, $0x3  }
0xf: {  	s14 =	simm.s32 $0x3;
	s11 =	sadd.s32 s11, s8;
	s8 =	sadd.s32 $0x28600, s12  }
0x10: {  	s12 =	smax.u32 s13, $0x1;
	s13 =	sshrl.u32 s30, $0x3;
	s11 =	sadd.s32 $0x41200, s11  }
.LBB2_1:
0x11: {  	[spmem:s13], [sflag:s9] =	dma.local [hbm:s8], $0x18B0  }
0x12: {  	_ =	swait.ge [sflag:s14], $0x18B0  }
0x13: {  	[sflag:s14] =	ssyncset.done $0x0  }
0x14: {  	[sflag:s14] =	ssyncadd.s32 $0xFFFFE750  }
0x15: {  	s23 =	simm.s32 $0x0;
	[bflag:$0x0] =	sbarrier.arrive $0xFFFF  }
.LBB2_2:
0x16: {  	s24 =	sshll.u32 s23, $0x7  }
0x17: {  	s24 =	sadd.s32 s10, s24  }
0x18: {  	s24 =	sshrl.u32 s24, $0x3  }
0x19: {  	s25 =	sadd.s32 s2, s24  }
0x1a: {  	[tilespmem:s15], [sflag:$0x3] =	stream.linear.gather [hbm4b:s25+s4], $0x80, $0x38;
	[tilespmem:$0xF680] =	vst v63  }
0x1b: {  	_ =	swait.ge [sflag:s14], $0x80  }
0x1c: {  	[sflag:s14] =	ssyncset.done $0x0  }
0x1d: {  	s24 =	sadd.s32 s7, s24;
	[sflag:s14] =	ssyncadd.s32 $0xFFFFFF80  }
0x1e: {  	[tilespmem:s16], [sflag:$0x3] =	stream.linear.gather [hbm4b:s24+s4], $0x80, $0x38;
	[tilespmem:$0xF680] =	vst v63  }
0x1f: {  	_ =	swait.ge [sflag:s14], $0x80  }
0x20: {  	[sflag:s14] =	ssyncset.done $0x0  }
0x21: {  	[sflag:s14] =	ssyncadd.s32 $0xFFFFFF80  }
0x22: {  	[tilespmem:s18], [sflag:$0x1] =	stream.indirect.gather [hbm4b:s5+s17], $0x50, s15, s17, $0xb8;
	[tilespmem:$0xF680] =	vst v63  }
0x23: {  	_ = 	snop  }
0x24: {  	[tilespmem:s19], [sflag:$0x2] =	stream.indirect.gather [hbm4b:s6+s17], $0x10, s16, s17, $0xb8;
	[tilespmem:$0xF680] =	vst v63  }
0x25: {  	_ =	swait.ge [sflag:s20], $0x2800  }
0x26: {  	[sflag:s20] =	ssyncset.done $0x0  }
0x27: {  	[sflag:s20] =	ssyncadd.s32 $0xFFFFD800  }
0x28: {  	_ =	swait.ge [sflag:s21], $0x800  }
0x29: {  	[sflag:s21] =	ssyncset.done $0x0  }
0x2a: {  	s24 =	simm.s32 $0xC6D0;
	[sflag:s21] =	ssyncadd.s32 $0xFFFFF800  }
0x2b: {  	s25 =	simm.s32 $0xEE90;
	v0 =	vld [tilespmem:s24+$0xFFFFFFE8]  }
0x2c: {  	v1 =	vld [tilespmem:s25+$0xFFFFFFF0];
	_ =	sdelay $0x4  }
0x2d: {  	v0 =	vadd.f32 v1, v0;
	_ =	sdelay $0x1  }
0x2e: {  	v1 =	vmul.f32 $2.000000030e-01, v0;
	_ =	sdelay $0x1  }
0x2f: {  	v0 =	vmax.f32 v0, v1  }
0x30: {  	v0 =	vmul.f32 $1.442695020e+00, v0;
	_ =	sdelay $0x1  }
0x31: {  	(erf) = vpow2.f32 v0;
	_ =	sdelay $0x6  }
0x32: {  	v0 =	vld [tilespmem:s24+$0xFFFFFFE0]  }
0x33: {  	v1 =	vld [tilespmem:s24+$0xFFFFFFC0]  }
0x34: {  	v2 =	vld [tilespmem:s24+$0xFFFFFFB0];
	v3 =	vpop (erf)  }
0x35: {  	v4 =	vld [tilespmem:s24+$0xFFFFFFD0];
	v5 =	vbroadcast v3, $0xB  }
0x36: {  	v6 =	vbroadcast v3, $0x9  }
0x37: {  	v7 =	vbroadcast v3, $0x8;
	v0 =	vmul.f32 v0, v5  }
0x38: {  	[tilespmem:s24+$0xFFFFFFF0] =	vst v3;
	v3 =	vbroadcast v3, $0xA;
	v1 =	vmul.f32 v6, v1  }
0x39: {  	v2 =	vmul.f32 v7, v2;
	[tilespmem:s24+$0xFFFFFFE0] =	vst v0  }
0x3a: {  	v0 =	vmul.f32 v3, v4;
	[tilespmem:s24+$0xFFFFFFC0] =	vst v1  }
0x3b: {  	[tilespmem:s24+$0xFFFFFFB0] =	vst v2  }
0x3c: {  	[tilespmem:s24+$0xFFFFFFD0] =	vst v0;
	v0 =	vld [tilespmem:s24+$0x38]  }
0x3d: {  	v1 =	vld [tilespmem:s25+$0x0];
	_ =	sdelay $0x4  }
0x3e: {  	v0 =	vadd.f32 v1, v0;
	_ =	sdelay $0x1  }
0x3f: {  	v1 =	vmul.f32 $2.000000030e-01, v0;
	_ =	sdelay $0x1  }
0x40: {  	v0 =	vmax.f32 v0, v1  }
0x41: {  	v0 =	vmul.f32 $1.442695020e+00, v0;
	_ =	sdelay $0x1  }
0x42: {  	(erf) = vpow2.f32 v0;
	_ =	sdelay $0x4  }
0x43: {  	v2 =	vld [tilespmem:s24+$0x10]  }
0x44: {  	v3 =	vld [tilespmem:s24+$0x0]  }
0x45: {  	v1 =	vld [tilespmem:s24+$0x20]  }
0x46: {  	v0 =	vld [tilespmem:s24+$0x30]  }
0x47: {  	v4 =	vpop (erf)  }
0x48: {  	s28 =	simm.s32 $0x0;
	s26 =	simm.s32 $0xC6D0;
	v6 =	vbroadcast v4, $0x8;
	v5 =	vbroadcast v4, $0x9;
	[tilespmem:s24+$0x40] =	vst v4  }
.LBB2_3:
0x49: {  	s28 =	sadd.s32 $0x2, s28;
	v7 =	vbroadcast v4, $0xA;
	v4 =	vbroadcast v4, $0xB;
	s25 =	sadd.s32 $0x20, s25;
	s24 =	sadd.s32 $0xA0, s24  }
0x4a: {  	p0 =	slt.u32 s28, $0x7E;
	v3 =	vmul.f32 v6, v3;
	v2 =	vmul.f32 v5, v2  }
0x4b: {  	v1 =	vmul.f32 v7, v1;
	v0 =	vmul.f32 v0, v4  }
0x4c: {  	[tilespmem:s26+$0x0] =	vst v3  }
0x4d: {  	[tilespmem:s26+$0x10] =	vst v2  }
0x4e: {  	[tilespmem:s26+$0x30] =	vst v0  }
0x4f: {  	v0 =	vld [tilespmem:s24+$0xFFFFFFE8];
	[tilespmem:s26+$0x20] =	vst v1;
	s26 =	smov.u32 s24  }
0x50: {  	v1 =	vld [tilespmem:s25+$0xFFFFFFF0];
	_ =	sdelay $0x4  }
0x51: {  	v0 =	vadd.f32 v1, v0;
	_ =	sdelay $0x1  }
0x52: {  	v1 =	vmul.f32 $2.000000030e-01, v0;
	_ =	sdelay $0x1  }
0x53: {  	v0 =	vmax.f32 v0, v1  }
0x54: {  	v0 =	vmul.f32 $1.442695020e+00, v0;
	_ =	sdelay $0x1  }
0x55: {  	(erf) = vpow2.f32 v0;
	_ =	sdelay $0x4  }
0x56: {  	v0 =	vld [tilespmem:s24+$0xFFFFFFD0]  }
0x57: {  	v1 =	vld [tilespmem:s24+$0xFFFFFFE0]  }
0x58: {  	v2 =	vld [tilespmem:s24+$0xFFFFFFC0]  }
0x59: {  	v3 =	vld [tilespmem:s24+$0xFFFFFFB0]  }
0x5a: {  	v4 =	vpop (erf)  }
0x5b: {  	v5 =	vbroadcast v4, $0x9;
	v6 =	vbroadcast v4, $0xB;
	[tilespmem:s24+$0xFFFFFFF0] =	vst v4  }
0x5c: {  	v7 =	vbroadcast v4, $0x8;
	v4 =	vbroadcast v4, $0xA  }
0x5d: {  	v2 =	vmul.f32 v5, v2;
	v1 =	vmul.f32 v1, v6  }
0x5e: {  	v0 =	vmul.f32 v4, v0;
	v3 =	vmul.f32 v7, v3  }
0x5f: {  	[tilespmem:s24+$0xFFFFFFE0] =	vst v1  }
0x60: {  	[tilespmem:s24+$0xFFFFFFC0] =	vst v2  }
0x61: {  	[tilespmem:s24+$0xFFFFFFB0] =	vst v3  }
0x62: {  	[tilespmem:s24+$0xFFFFFFD0] =	vst v0;
	v0 =	vld [tilespmem:s24+$0x38]  }
0x63: {  	v1 =	vld [tilespmem:s25+$0x0];
	_ =	sdelay $0x4  }
0x64: {  	v0 =	vadd.f32 v1, v0;
	_ =	sdelay $0x1  }
0x65: {  	v1 =	vmul.f32 $2.000000030e-01, v0;
	_ =	sdelay $0x1  }
0x66: {  	v0 =	vmax.f32 v0, v1  }
0x67: {  	v0 =	vmul.f32 $1.442695020e+00, v0;
	_ =	sdelay $0x1  }
0x68: {  	(erf) = vpow2.f32 v0;
	_ =	sdelay $0x4  }
0x69: {  	v3 =	vld [tilespmem:s24+$0x0]  }
.Ltmp0:
0x6a: {  	v0 =	vld [tilespmem:s24+$0x30];
	(pc) =	sbr.rel @p0 .LBB2_3-.Ltmp0, $4  }
0x6b: {  	v2 =	vld [tilespmem:s24+$0x10]  }
0x6c: {  	v1 =	vld [tilespmem:s24+$0x20]  }
0x6d: {  	v4 =	vpop (erf)  }
0x6e: {  	v6 =	vbroadcast v4, $0x8;
	v5 =	vbroadcast v4, $0x9;
	[tilespmem:s24+$0x40] =	vst v4  }
0x6f: {  	_ = 	snop  }
0x70: {  	v7 =	vbroadcast v4, $0xB;
	v3 =	vmul.f32 v6, v3  }
0x71: {  	v63 =	vbroadcast v4, $0xA;
	v2 =	vmul.f32 v5, v2  }
0x72: {  	v0 =	vmul.f32 v0, v7;
	[tilespmem:s26+$0x0] =	vst v3  }
0x73: {  	s23 =	sadd.s32 $0x1, s23;
	v1 =	vmul.f32 v63, v1;
	[tilespmem:s26+$0x10] =	vst v2  }
0x74: {  	p0 =	sne.s32 s23, $0x51;
	[tilespmem:s26+$0x30] =	vst v0  }
.Ltmp1:
0x75: {  	[tilespmem:s26+$0x20] =	vst v1;
	(pc) =	sbr.rel @p0 .LBB2_2-.Ltmp1, $4  }
0x76: {  	[spmem:s3] =	stream.indirect.scatter.add.f32 [tilespmem:s18], [sflag:$0x3], $0x50, s16, s17, $0xb8;
	[tilespmem:$0xF680] =	vst v63  }
0x77: {  	_ =	swait.ge [sflag:s14], $0x2800  }
0x78: {  	[sflag:s14] =	ssyncset.done $0x0  }
0x79: {  	[sflag:s14] =	ssyncadd.s32 $0xFFFFD800  }
0x7a: {  	s22 =	sadd.s32 $0x1, s22  }
0x7b: {  	p0 =	sne.s32 s22, s12  }
.Ltmp2:
0x7c: {  	[bflag:$0x0] =	sbarrier.arrive $0xFFFF;
	(pc) =	sbr.rel @p0 .LBB2_1-.Ltmp2, $4  }
0x7d: {  	[hbm:s11], [sflag:s9] =	dma.local [spmem:s13], $0x18B0  }
0x7e: {  	_ =	swait.ge [sflag:s14], $0x18B0  }
0x7f: {  	[sflag:s14] =	ssyncset.done $0x0  }
0x80: {  	[sflag:s14] =	ssyncadd.s32 $0xFFFFE750  }
0x81: {  	_ =	sfence.sel $0x180000  }
0x82: {  	[bflag:$0x0] =	sbarrier.arrive $0xFFFF  }
0x83: {  	p0 =	sne.s32 s1, $0x0;
	_ =	strace $0x90000047  }
0x84: {  	s0 =	sadd.s32 @!p0 $0x100000, s0;
	[bflag:$0x2] =	sbarrier.arrive $0xFFFF  }
0x85: {  	[sflag:s0] =	ssyncadd.tile.s32 @!p0 $0x1;
	_ =	shalt  }
.Lfunc_end2:
_tile_overlayer_lowered:
.L_overlay_start_2:
0x86: {  	(tag) =	ssettag $0x2  }
0x87: {  	s0 =	rddreg [dreg:$0x0];
	s2 =	stileid.u32  }
0x88: {  	s1 =	rddreg [dreg:$0x1];
	p0 =	sne.s32 s2, $0x0  }
0x89: {  	s3 =	rddreg [dreg:$0x2];
	[bflag:$0x3] =	sbarrier.arrive $0xFFFF;
	s2 =	simm.s32 @!p0 $0x1C03  }
0x8a: {  	[timem:s3], [sflag:s2] =	dma.local @!p0 [hbm:s0], s1  }
0x8b: {  	s0 =	simm.s32 @!p0 $0x3  }
0x8c: {  	_ =	swait.ge @!p0 [sflag:s0], s1  }
0x8d: {  	s1 =	ssub.s32 @!p0 $0x0, s1;
	[sflag:s0] =	ssyncset.done @!p0 $0x0  }
0x8e: {  	[sflag:s0] =	ssyncadd.s32 @!p0 s1  }
0x8f: {  	[bflag:$0x3] =	sbarrier.arrive $0xFFFF  }
0x90: {  	_ =	shalt  }

</sc_bundles>
